<compile_context>
chip_gen: v7x
topology: tpu7x:2x2x1
jax: 0.10.2.dev20260603
libtpu: 0.0.44.dev20260713+nightly
codegen_flags: <defaults>
</compile_context>

<pallas_src>
import jax
import jax.numpy as jnp
from jax import lax
from jax.experimental import pallas as pl
from jax.experimental.pallas import tpu as pltpu
from jax.experimental.pallas import tpu_sc as plsc

BB, SS, DD = 4, 8192, 768
EE, DFF, OUT = 64, 64, 768
TT = BB * SS
CAP = TT // EE
NOISE_STD = 1.0 / EE
RA = 2048
NA = TT // RA
RB = 512
NB = TT // RB
NCLS = 8
PAD = 2048
PREFIX = EE * CAP + PAD
NC = PREFIX + TT
NDISP = EE * CAP + 8
CHUNK = 64
SQRT_HALF = 0.7071067811865476



def _stage_a_body(x_ref, noise_ref, gw_ref, gb_ref, ls_ref, lb_ref,
                  comb_ref, aux_ref, imp_acc, p_acc):
    i = pl.program_id(0)
    xb = x_ref[...]
    mu = jnp.mean(xb, axis=1, keepdims=True)
    xc = xb - mu
    var = jnp.mean(xc * xc, axis=1, keepdims=True)
    xn = xc / jnp.sqrt(var + 1e-5) * ls_ref[...] + lb_ref[...]
    comb_ref[...] = xn
    logits = lax.dot_general(
        xn.astype(jnp.bfloat16), gw_ref[...].astype(jnp.bfloat16),
        (((1,), (0,)), ((), ())), preferred_element_type=jnp.float32)
    logits = logits + gb_ref[...]

    @pl.when(i == 0)
    def _init():
        imp_acc[...] = jnp.zeros_like(imp_acc)
        p_acc[...] = jnp.zeros_like(p_acc)

    m = jnp.max(logits, axis=1, keepdims=True)
    ex = jnp.exp(logits - m)
    gates = ex / jnp.sum(ex, axis=1, keepdims=True)
    imp_acc[...] += jnp.sum(gates, axis=0, keepdims=True)

    noisy = logits + noise_ref[...]
    thr = jnp.max(noisy, axis=1, keepdims=True)
    z = (thr - logits) * (1.0 / NOISE_STD)
    p = 0.5 * (1.0 - lax.erf(z * SQRT_HALF))
    p_acc[...] += jnp.sum(p, axis=0, keepdims=True)

    @pl.when(i == NA - 1)
    def _fin():
        def cv2(v):
            mean = jnp.mean(v)
            ss = jnp.sum((v - mean) ** 2) / (EE - 1)
            return ss / (mean + 1e-8) ** 2
        imp_loss = cv2(imp_acc[...])
        load_loss = cv2(p_acc[...] / TT)
        aux_ref[...] = jnp.full((1, 1), 0.5, jnp.float32) * (imp_loss + load_loss)


def _run_stage_a(xf, noise, gate_W, gate_b, ln_scale, ln_bias):
    return pl.pallas_call(
        _stage_a_body,
        grid=(NA,),
        in_specs=[
            pl.BlockSpec((RA, DD), lambda i: (i, 0)),
            pl.BlockSpec((RA, EE), lambda i: (i, 0)),
            pl.BlockSpec((DD, EE), lambda i: (0, 0)),
            pl.BlockSpec((1, EE), lambda i: (0, 0)),
            pl.BlockSpec((1, DD), lambda i: (0, 0)),
            pl.BlockSpec((1, DD), lambda i: (0, 0)),
        ],
        out_specs=[
            pl.BlockSpec((RA, DD), lambda i: (i + PREFIX // RA, 0)),
            pl.BlockSpec((1, 1), lambda i: (0, 0)),
        ],
        out_shape=[
            jax.ShapeDtypeStruct((NC, DD), jnp.float32),
            jax.ShapeDtypeStruct((1, 1), jnp.float32),
        ],
        scratch_shapes=[
            pltpu.VMEM((1, EE), jnp.float32),
            pltpu.VMEM((1, EE), jnp.float32),
        ],
    )(xf, noise, gate_W, gate_b.reshape(1, EE),
      ln_scale.reshape(1, DD), ln_bias.reshape(1, DD))



def _cls_of(w):
    one = jnp.int32(0x3F800000)
    k = one - lax.bitcast_convert_type(w, jnp.int32)
    return jnp.clip(k + 1, 0, NCLS - 1)


def _stage_b1_body(eid_ref, w_ref, pfx_ref, hist):
    i = pl.program_id(0)

    @pl.when(i == 0)
    def _init():
        hist[...] = jnp.zeros_like(hist)

    pfx_ref[...] = hist[...].reshape(1, EE, NCLS)

    @pl.when(i < NB)
    def _accum():
        eid = eid_ref[...].reshape(1, RB)
        cls = _cls_of(w_ref[...].reshape(1, RB))
        iota_e = lax.broadcasted_iota(jnp.int32, (EE, 1), 0)
        oh = (eid == iota_e).astype(jnp.float32)
        for c in range(NCLS):
            mc = (cls == c).astype(jnp.float32)
            hist[:, c:c + 1] += jnp.sum(oh * mc, axis=1, keepdims=True)


def _run_stage_b1(eid, w):
    return pl.pallas_call(
        _stage_b1_body,
        grid=(NB + 1,),
        in_specs=[
            pl.BlockSpec((1, 1, RB), lambda i: (jnp.minimum(i, NB - 1), 0, 0)),
            pl.BlockSpec((1, 1, RB), lambda i: (jnp.minimum(i, NB - 1), 0, 0)),
        ],
        out_specs=pl.BlockSpec((1, EE, NCLS), lambda i: (i, 0, 0)),
        out_shape=jax.ShapeDtypeStruct((NB + 1, EE, NCLS), jnp.float32),
        scratch_shapes=[pltpu.VMEM((EE, NCLS), jnp.float32)],
    )(eid, w)


def _stage_b2_body(eid_ref, w_ref, pfx_ref, tot_ref, gidx_ref):
    eid = eid_ref[...].reshape(1, RB)
    cls = _cls_of(w_ref[...].reshape(1, RB))
    iota_e = lax.broadcasted_iota(jnp.int32, (EE, 1), 0)
    oh = (eid == iota_e).astype(jnp.float32)
    ia = lax.broadcasted_iota(jnp.int32, (RB, RB), 0)
    ib = lax.broadcasted_iota(jnp.int32, (RB, RB), 1)
    utri = (ia < ib).astype(jnp.float32)

    pfx = pfx_ref[0]
    tot = tot_ref[0]
    base = jnp.zeros((1, RB), jnp.float32)
    within = jnp.zeros((1, RB), jnp.float32)
    higher = jnp.zeros((EE, 1), jnp.float32)
    for c in range(NCLS):
        row = higher + pfx[:, c:c + 1]
        mc = (cls == c).astype(jnp.float32)
        base += mc * jnp.sum(oh * row, axis=0, keepdims=True)
        ohc = oh * mc
        cumc = lax.dot_general(ohc, utri, (((1,), (0,)), ((), ())),
                               preferred_element_type=jnp.float32)
        within += jnp.sum(ohc * cumc, axis=0, keepdims=True)
        higher = higher + tot[:, c:c + 1]
    slot = base + within
    keep = slot < float(CAP)
    gidx = jnp.where(keep, eid.astype(jnp.float32) * CAP + slot,
                     float(EE * CAP)).astype(jnp.int32)
    gidx_ref[...] = gidx.reshape(1, 1, RB)


def _run_stage_b2(eid, w, pfx):
    return pl.pallas_call(
        _stage_b2_body,
        grid=(NB,),
        in_specs=[
            pl.BlockSpec((1, 1, RB), lambda i: (i, 0, 0)),
            pl.BlockSpec((1, 1, RB), lambda i: (i, 0, 0)),
            pl.BlockSpec((1, EE, NCLS), lambda i: (i, 0, 0)),
            pl.BlockSpec((1, EE, NCLS), lambda i: (NB, 0, 0)),
        ],
        out_specs=pl.BlockSpec((1, 1, RB), lambda i: (i, 0, 0)),
        out_shape=jax.ShapeDtypeStruct((NB, 1, RB), jnp.int32),
    )(eid, w, pfx, pfx)



def _sc_dispatch_body(comb_hbm, gidx_hbm, disp_hbm,
                      idx0, idx1, rows0, rows1, lsem0, lsem1, ssem0, ssem1):
    wid = lax.axis_index("s") * 2 + lax.axis_index("c")
    rows_per_tile = TT // 32
    nch = rows_per_tile // CHUNK

    def start_load(j, idx_v, rows_v, lsem):
        base = pl.multiple_of(wid * rows_per_tile + j * CHUNK, CHUNK)
        pltpu.async_copy(gidx_hbm.at[pl.ds(base, CHUNK)], idx_v, lsem)
        pltpu.async_copy(comb_hbm.at[pl.ds(PREFIX + base, CHUNK)], rows_v, lsem)

    def wait_load(idx_v, rows_v, lsem):
        pltpu.make_async_copy(gidx_hbm.at[pl.ds(0, CHUNK)], idx_v, lsem).wait()
        pltpu.make_async_copy(comb_hbm.at[pl.ds(0, CHUNK)], rows_v, lsem).wait()

    start_load(0, idx0, rows0, lsem0)

    def body(j2, carry):
        wait_load(idx0, rows0, lsem0)
        start_load(2 * j2 + 1, idx1, rows1, lsem1)
        sc0 = pltpu.async_copy(rows0, disp_hbm.at[idx0], ssem0)
        wait_load(idx1, rows1, lsem1)
        sc0.wait()

        @pl.when(2 * j2 + 2 < nch)
        def _():
            start_load(2 * j2 + 2, idx0, rows0, lsem0)

        pltpu.async_copy(rows1, disp_hbm.at[idx1], ssem1).wait()
        return carry

    lax.fori_loop(0, nch // 2, body, 0)


def _run_stage_c(comb, gidx_flat):
    mesh = plsc.VectorSubcoreMesh(core_axis_name="c", subcore_axis_name="s")
    f = pl.kernel(
        _sc_dispatch_body,
        out_type=jax.ShapeDtypeStruct((NDISP, DD), jnp.float32),
        mesh=mesh,
        scratch_types=[
            pltpu.VMEM((CHUNK,), jnp.int32),
            pltpu.VMEM((CHUNK,), jnp.int32),
            pltpu.VMEM((CHUNK, DD), jnp.float32),
            pltpu.VMEM((CHUNK, DD), jnp.float32),
            pltpu.SemaphoreType.DMA,
            pltpu.SemaphoreType.DMA,
            pltpu.SemaphoreType.DMA,
            pltpu.SemaphoreType.DMA,
        ],
    )
    return f(comb, gidx_flat)



def _stage_d_body(comb_in_ref, disp_ref, w1_ref, b1_ref, w2_ref, b2_ref,
                  comb_out_ref):
    del comb_in_ref
    xb = disp_ref[...]
    u = lax.dot_general(
        xb.astype(jnp.bfloat16), w1_ref[0].astype(jnp.bfloat16),
        (((1,), (0,)), ((), ())), preferred_element_type=jnp.float32)
    u = u + b1_ref[0]
    h = jax.nn.gelu(u)
    o = lax.dot_general(
        h.astype(jnp.bfloat16), w2_ref[0].astype(jnp.bfloat16),
        (((1,), (0,)), ((), ())), preferred_element_type=jnp.float32)
    comb_out_ref[...] = o + b2_ref[0]


def _run_stage_d(comb, disp, W1, b1, W2, b2):
    return pl.pallas_call(
        _stage_d_body,
        grid=(EE,),
        in_specs=[
            pl.BlockSpec(memory_space=pl.ANY),
            pl.BlockSpec((CAP, DD), lambda e: (e, 0)),
            pl.BlockSpec((1, DD, DFF), lambda e: (e, 0, 0)),
            pl.BlockSpec((1, 1, DFF), lambda e: (e, 0, 0)),
            pl.BlockSpec((1, DFF, OUT), lambda e: (e, 0, 0)),
            pl.BlockSpec((1, 1, OUT), lambda e: (e, 0, 0)),
        ],
        out_specs=pl.BlockSpec((CAP, OUT), lambda e: (e, 0)),
        out_shape=jax.ShapeDtypeStruct((NC, OUT), jnp.float32),
        input_output_aliases={0: 0},
    )(comb, disp, W1, b1.reshape(EE, 1, DFF), W2, b2.reshape(EE, 1, OUT))



def _sc_combine_body(comb_hbm, gidx_hbm, out_hbm, idx_v, g3_v, rows_v, sem):
    wid = lax.axis_index("s") * 2 + lax.axis_index("c")
    rows_per_tile = TT // 32

    def body(j, carry):
        base = pl.multiple_of(wid * rows_per_tile + j * CHUNK, CHUNK)
        pltpu.sync_copy(gidx_hbm.at[pl.ds(base, CHUNK)], idx_v)
        for i in range(CHUNK // 16):
            v = idx_v[pl.ds(i * 16, 16)]
            tok = base + i * 16 + lax.iota(jnp.int32, 16)
            g3_v[pl.ds(i * 16, 16)] = jnp.where(v < EE * CAP, v, PREFIX + tok)
        pltpu.async_copy(comb_hbm.at[g3_v], rows_v, sem).wait()
        pltpu.sync_copy(rows_v, out_hbm.at[pl.ds(base, CHUNK)])
        return carry

    lax.fori_loop(0, rows_per_tile // CHUNK, body, 0)


def _run_stage_e(comb2, gidx_flat):
    mesh = plsc.VectorSubcoreMesh(core_axis_name="c", subcore_axis_name="s")
    f = pl.kernel(
        _sc_combine_body,
        out_type=jax.ShapeDtypeStruct((TT, OUT), jnp.float32),
        mesh=mesh,
        scratch_types=[
            pltpu.VMEM((CHUNK,), jnp.int32),
            pltpu.VMEM((CHUNK,), jnp.int32),
            pltpu.VMEM((CHUNK, OUT), jnp.float32),
            pltpu.SemaphoreType.DMA,
        ],
    )
    return f(comb2, gidx_flat)



def kernel(x, gate_W, gate_b, ln_scale, ln_bias, W1, b1, W2, b2):
    xf = x.reshape(TT, DD)
    noise = NOISE_STD * jax.random.normal(
        jax.random.key(42), (TT, EE), dtype=jnp.float32)

    comb, aux = _run_stage_a(xf, noise, gate_W, gate_b, ln_scale, ln_bias)

    mu = xf.mean(-1, keepdims=True)
    var = ((xf - mu) ** 2).mean(-1, keepdims=True)
    xn_r = (xf - mu) / jnp.sqrt(var + 1e-5) * ln_scale + ln_bias
    logits = xn_r @ gate_W + gate_b
    gates_noisy = jax.nn.softmax(logits + noise, axis=-1)
    gates_noisy = lax.optimization_barrier(gates_noisy)
    topi = jnp.argmax(gates_noisy, axis=-1, keepdims=True)
    topv = jnp.take_along_axis(gates_noisy, topi, axis=-1)
    wsel = (topv / (topv.sum(-1, keepdims=True) + 1e-20)).reshape(NB, 1, RB)
    eid = topi.astype(jnp.int32).reshape(NB, 1, RB)

    pfx = _run_stage_b1(eid, wsel)
    gidx = _run_stage_b2(eid, wsel, pfx)
    gidx_flat = gidx.reshape(TT)
    disp = _run_stage_c(comb, gidx_flat)
    comb2 = _run_stage_d(comb, disp, W1, b1, W2, b2)
    out = _run_stage_e(comb2, gidx_flat)
    return out.reshape(BB, SS, OUT), aux[0, 0]

# --- scband reference (transcript-rebuilt; emitter-appended) ---
"""Pipeline reference for scband-vmo-eblock-1967095022052 (READ-ONLY COPY).

The authoritative reference and input builder live on the scoring server;
editing this copy changes nothing except your own understanding.
"""

import jax, jax.numpy as jnp
import numpy as np

B, S, D = 4, 8192, 768
E, TOPK, DFF, OUT = 64, 1, 64, 768
CAP_FACTOR = 1.0


def setup_inputs(seed: int = 0) -> dict:
    key = jax.random.key(seed)
    ks = jax.random.split(key, 8)
    x = jax.random.normal(ks[0], (B, S, D), dtype=jnp.float32)
    gate_W = jax.random.normal(ks[1], (D, E), dtype=jnp.float32) / np.sqrt(D)
    gate_b = jnp.zeros((E,), dtype=jnp.float32)
    ln_scale = jnp.ones((D,), dtype=jnp.float32)
    ln_bias = jnp.zeros((D,), dtype=jnp.float32)
    W1 = jax.random.normal(ks[2], (E, D, DFF), dtype=jnp.float32) / np.sqrt(D)
    b1 = jnp.zeros((E, DFF), dtype=jnp.float32)
    W2 = jax.random.normal(ks[3], (E, DFF, OUT), dtype=jnp.float32) / np.sqrt(DFF)
    b2 = jnp.zeros((E, OUT), dtype=jnp.float32)
    return {"x": x, "gate_W": gate_W, "gate_b": gate_b, "ln_scale": ln_scale,
            "ln_bias": ln_bias, "W1": W1, "b1": b1, "W2": W2, "b2": b2}


def _compute_capacity(num_tokens, num_experts, capacity_factor, multiple_of=4):
    capacity = int(round(num_tokens / num_experts * capacity_factor))
    capacity += (-capacity) % multiple_of
    return capacity


def reference(x, gate_W, gate_b, ln_scale, ln_bias, W1, b1, W2, b2):
    b, s, d = x.shape
    T = b * s
    xf = x.reshape(T, d)
    # LayerNorm (eps=1e-5, like nn.LayerNorm)
    mu = xf.mean(-1, keepdims=True)
    var = ((xf - mu) ** 2).mean(-1, keepdims=True)
    xn = (xf - mu) / jnp.sqrt(var + 1e-5) * ln_scale + ln_bias
    # NoisyTokenChoiceRouter
    logits = xn @ gate_W + gate_b
    gates = jax.nn.softmax(logits, axis=-1)
    noise_std = 1.0 / E
    noise = noise_std * jax.random.normal(jax.random.key(42), logits.shape, dtype=logits.dtype)
    logits_noisy = logits + noise
    gates_noisy = jax.nn.softmax(logits_noisy, axis=-1)
    topv, topi = jax.lax.top_k(gates_noisy, TOPK)
    topv = topv / (topv.sum(-1, keepdims=True) + 1e-20)
    flat_idx = topi.reshape(-1)
    flat_w = topv.reshape(-1)
    sample_idx = jnp.repeat(jnp.arange(T), TOPK)
    capacity = _compute_capacity(T, E, CAP_FACTOR)
    outputs = jnp.zeros((T, OUT), dtype=xn.dtype)
    processed = jnp.zeros((T,), dtype=xn.dtype)

    def expert_step(carry, inputs):
        outputs, processed = carry
        e, W1e, b1e, W2e, b2e = inputs
        mask = (flat_idx == e)
        masked_w = jnp.where(mask, flat_w, -1.0)
        vals, pos = jax.lax.top_k(masked_w, capacity)  # top-`capacity` tokens by gate weight
        valid = (vals > 0.0).astype(xn.dtype)
        samp = sample_idx[pos]
        inp = xn[samp]
        h = jax.nn.gelu(inp @ W1e + b1e)
        o = h @ W2e + b2e
        o = o * (vals * valid)[:, None]
        outputs = outputs.at[samp].add(o)
        processed = processed.at[samp].max(valid)
        return (outputs, processed), None

    (outputs, processed), _ = jax.lax.scan(
        expert_step, (outputs, processed), (jnp.arange(E), W1, b1, W2, b2))
    # tokens dropped by capacity (or never routed) pass through post-norm residual
    outputs = outputs + xn * (1.0 - processed)[:, None]
    outputs = outputs.reshape(b, s, OUT)
    # auxiliary losses (training mode)
    importance = gates.sum(axis=0)
    imp_loss = (jnp.std(importance, ddof=1) / (importance.mean() + 1e-8)) ** 2
    thr_idx = jax.lax.top_k(logits_noisy, TOPK)[1][:, -1]
    thr = jnp.take_along_axis(logits_noisy, thr_idx[:, None], axis=-1)[:, 0]
    nrw = (thr[:, None] - logits) / noise_std
    p = 1.0 - jax.scipy.stats.norm.cdf(nrw)
    p_mean = p.mean(axis=0)
    load_loss = (jnp.std(p_mean, ddof=1) / (p_mean.mean() + 1e-8)) ** 2
    aux_loss = 0.5 * (imp_loss + load_loss)
    return outputs, aux_loss

if __name__ == "__main__":
    import jax
    _d = setup_inputs()
    print(jax.jit(kernel)(*tuple(_d.values())))

</pallas_src>

<mosaic_0001>
#map = affine_map<(d0, d1) -> (0, 0)>
#map1 = affine_map<(d0, d1) -> (0)>
module attributes {stable_mosaic.version = 14 : i64} {
  func.func @_sc_dispatch_body(%arg0: i32, %arg1: i32, %arg2: memref<67584x768xf32, #tpu.memory_space<hbm>>, %arg3: memref<32768xi32, #tpu.memory_space<hbm>>, %arg4: memref<32776x768xf32, #tpu.memory_space<hbm>>, %arg5: memref<64xi32, #tpu.memory_space<vmem>>, %arg6: memref<64xi32, #tpu.memory_space<vmem>>, %arg7: memref<64x768xf32, #tpu.memory_space<vmem>>, %arg8: memref<64x768xf32, #tpu.memory_space<vmem>>, %arg9: memref<!tpu.dma_semaphore, #tpu.memory_space<semaphore_mem>>, %arg10: memref<!tpu.dma_semaphore, #tpu.memory_space<semaphore_mem>>, %arg11: memref<!tpu.dma_semaphore, #tpu.memory_space<semaphore_mem>>, %arg12: memref<!tpu.dma_semaphore, #tpu.memory_space<semaphore_mem>>) attributes {dimension_semantics = [#tpu.dimension_semantics<core_parallel>, #tpu.dimension_semantics<subcore_parallel>], iteration_bounds = array<i64: 2, 16>, scalar_prefetch = 0 : i64, scratch_operands = 8 : i64, tpu.core_type = #tpu.core_type<sc_vector_subcore>, window_params = [{transform_indices = #map}, {transform_indices = #map1}, {transform_indices = #map}]} {
    %mul3A = arith.constant 2 : i32
    %mul3A_0 = arith.muli %arg1, %mul3A : i32
    %add3A = arith.addi %mul3A_0, %arg0 : i32
    %mul3A_1 = arith.constant 1024 : i32
    %mul3A_2 = arith.muli %add3A, %mul3A_1 : i32
    %add3A_3 = arith.constant 0 : i32
    %add3A_4 = arith.addi %mul3A_2, %add3A_3 : i32
    %multiple_of3A = tpu.assume_multiple %add3A_4, 64 : i32
    %dma_start3A = tpu.memref_slice %arg3[%multiple_of3A] : memref<32768xi32, #tpu.memory_space<hbm>> -> memref<64xi32, #tpu.memory_space<hbm>>
    %dma_start3A_5 = tpu.memref_slice %arg3[%multiple_of3A] : memref<32768xi32, #tpu.memory_space<hbm>> -> memref<64xi32, #tpu.memory_space<hbm>>
    tpu.enqueue_dma source(%dma_start3A_5 : memref<64xi32, #tpu.memory_space<hbm>>) target(%arg5 : memref<64xi32, #tpu.memory_space<vmem>>) target_semaphore(%arg9 : memref<!tpu.dma_semaphore, #tpu.memory_space<semaphore_mem>>)
    %add3A_6 = arith.constant 34816 : i32
    %add3A_7 = arith.addi %add3A_6, %multiple_of3A : i32
    %dma_start3A_8 = arith.constant 0 : i32
    %dma_start3A_9 = tpu.memref_slice %arg2[%add3A_7, %dma_start3A_8] : memref<67584x768xf32, #tpu.memory_space<hbm>> -> memref<64x768xf32, #tpu.memory_space<hbm>>
    %dma_start3A_10 = arith.constant 0 : i32
    %dma_start3A_11 = tpu.memref_slice %arg2[%add3A_7, %dma_start3A_10] : memref<67584x768xf32, #tpu.memory_space<hbm>> -> memref<64x768xf32, #tpu.memory_space<hbm>>
    tpu.enqueue_dma source(%dma_start3A_11 : memref<64x768xf32, #tpu.memory_space<hbm>>) target(%arg7 : memref<64x768xf32, #tpu.memory_space<vmem>>) target_semaphore(%arg9 : memref<!tpu.dma_semaphore, #tpu.memory_space<semaphore_mem>>)
    %scan3A = arith.constant 0 : i32
    %scan3A_12 = arith.constant 0 : i32
    %scan3A_13 = arith.constant 8 : i32
    %scan3A_14 = arith.addi %scan3A_12, %scan3A_13 : i32
    %scan3A_15 = arith.constant 1 : i32
    scf.for %scan3A_17 = %scan3A_12 to %scan3A_14 step %scan3A_15  : i32 {
      %dma_wait3A = arith.constant 0 : i32
      %dma_wait3A_18 = tpu.memref_slice %arg3[%dma_wait3A] : memref<32768xi32, #tpu.memory_space<hbm>> -> memref<64xi32, #tpu.memory_space<hbm>>
      %dma_wait3A_19 = arith.constant 0 : i32
      %dma_wait3A_20 = tpu.memref_slice %arg3[%dma_wait3A_19] : memref<32768xi32, #tpu.memory_space<hbm>> -> memref<64xi32, #tpu.memory_space<hbm>>
      tpu.wait_dma2 semaphore(%arg9 : memref<!tpu.dma_semaphore, #tpu.memory_space<semaphore_mem>>) src(%dma_wait3A_20 : memref<64xi32, #tpu.memory_space<hbm>>) dst(%arg5 : memref<64xi32, #tpu.memory_space<vmem>>)
      %dma_wait3A_21 = arith.constant 0 : i32
      %dma_wait3A_22 = arith.constant 0 : i32
      %dma_wait3A_23 = tpu.memref_slice %arg2[%dma_wait3A_21, %dma_wait3A_22] : memref<67584x768xf32, #tpu.memory_space<hbm>> -> memref<64x768xf32, #tpu.memory_space<hbm>>
      %dma_wait3A_24 = arith.constant 0 : i32
      %dma_wait3A_25 = arith.constant 0 : i32
      %dma_wait3A_26 = tpu.memref_slice %arg2[%dma_wait3A_24, %dma_wait3A_25] : memref<67584x768xf32, #tpu.memory_space<hbm>> -> memref<64x768xf32, #tpu.memory_space<hbm>>
      tpu.wait_dma2 semaphore(%arg9 : memref<!tpu.dma_semaphore, #tpu.memory_space<semaphore_mem>>) src(%dma_wait3A_26 : memref<64x768xf32, #tpu.memory_space<hbm>>) dst(%arg7 : memref<64x768xf32, #tpu.memory_space<vmem>>)
      %mul3A_27 = arith.constant 2 : i32
      %mul3A_28 = arith.muli %mul3A_27, %scan3A_17 : i32
      %add3A_29 = arith.constant 1 : i32
      %add3A_30 = arith.addi %mul3A_28, %add3A_29 : i32
      %mul3A_31 = arith.constant 1024 : i32
      %mul3A_32 = arith.muli %add3A, %mul3A_31 : i32
      %mul3A_33 = arith.constant 64 : i32
      %mul3A_34 = arith.muli %add3A_30, %mul3A_33 : i32
      %add3A_35 = arith.addi %mul3A_32, %mul3A_34 : i32
      %multiple_of3A_36 = tpu.assume_multiple %add3A_35, 64 : i32
      %dma_start3A_37 = tpu.memref_slice %arg3[%multiple_of3A_36] : memref<32768xi32, #tpu.memory_space<hbm>> -> memref<64xi32, #tpu.memory_space<hbm>>
      %dma_start3A_38 = tpu.memref_slice %arg3[%multiple_of3A_36] : memref<32768xi32, #tpu.memory_space<hbm>> -> memref<64xi32, #tpu.memory_space<hbm>>
      tpu.enqueue_dma source(%dma_start3A_38 : memref<64xi32, #tpu.memory_space<hbm>>) target(%arg6 : memref<64xi32, #tpu.memory_space<vmem>>) target_semaphore(%arg10 : memref<!tpu.dma_semaphore, #tpu.memory_space<semaphore_mem>>)
      %add3A_39 = arith.constant 34816 : i32
      %add3A_40 = arith.addi %add3A_39, %multiple_of3A_36 : i32
      %dma_start3A_41 = arith.constant 0 : i32
      %dma_start3A_42 = tpu.memref_slice %arg2[%add3A_40, %dma_start3A_41] : memref<67584x768xf32, #tpu.memory_space<hbm>> -> memref<64x768xf32, #tpu.memory_space<hbm>>
      %dma_start3A_43 = arith.constant 0 : i32
      %dma_start3A_44 = tpu.memref_slice %arg2[%add3A_40, %dma_start3A_43] : memref<67584x768xf32, #tpu.memory_space<hbm>> -> memref<64x768xf32, #tpu.memory_space<hbm>>
      tpu.enqueue_dma source(%dma_start3A_44 : memref<64x768xf32, #tpu.memory_space<hbm>>) target(%arg8 : memref<64x768xf32, #tpu.memory_space<vmem>>) target_semaphore(%arg10 : memref<!tpu.dma_semaphore, #tpu.memory_space<semaphore_mem>>)
      %dma_start3A_45 = arith.constant 0 : i32
      %dma_start3A_46 = arith.constant 0 : i32
      %dma_start3A_47 = tpu.memref_slice %arg4[%dma_start3A_45, %dma_start3A_46] : memref<32776x768xf32, #tpu.memory_space<hbm>> -> memref<32776x768xf32, #tpu.memory_space<hbm>>
      tpu.enqueue_indirect_dma source(%arg7 : memref<64x768xf32, #tpu.memory_space<vmem>>) target(%dma_start3A_47 : memref<32776x768xf32, #tpu.memory_space<hbm>>) offsets(%arg5 : memref<64xi32, #tpu.memory_space<vmem>>) semaphore(%arg11 : memref<!tpu.dma_semaphore, #tpu.memory_space<semaphore_mem>>)
      %dma_wait3A_48 = arith.constant 0 : i32
      %dma_wait3A_49 = tpu.memref_slice %arg3[%dma_wait3A_48] : memref<32768xi32, #tpu.memory_space<hbm>> -> memref<64xi32, #tpu.memory_space<hbm>>
      %dma_wait3A_50 = arith.constant 0 : i32
      %dma_wait3A_51 = tpu.memref_slice %arg3[%dma_wait3A_50] : memref<32768xi32, #tpu.memory_space<hbm>> -> memref<64xi32, #tpu.memory_space<hbm>>
      tpu.wait_dma2 semaphore(%arg10 : memref<!tpu.dma_semaphore, #tpu.memory_space<semaphore_mem>>) src(%dma_wait3A_51 : memref<64xi32, #tpu.memory_space<hbm>>) dst(%arg6 : memref<64xi32, #tpu.memory_space<vmem>>)
      %dma_wait3A_52 = arith.constant 0 : i32
      %dma_wait3A_53 = arith.constant 0 : i32
      %dma_wait3A_54 = tpu.memref_slice %arg2[%dma_wait3A_52, %dma_wait3A_53] : memref<67584x768xf32, #tpu.memory_space<hbm>> -> memref<64x768xf32, #tpu.memory_space<hbm>>
      %dma_wait3A_55 = arith.constant 0 : i32
      %dma_wait3A_56 = arith.constant 0 : i32
      %dma_wait3A_57 = tpu.memref_slice %arg2[%dma_wait3A_55, %dma_wait3A_56] : memref<67584x768xf32, #tpu.memory_space<hbm>> -> memref<64x768xf32, #tpu.memory_space<hbm>>
      tpu.wait_dma2 semaphore(%arg10 : memref<!tpu.dma_semaphore, #tpu.memory_space<semaphore_mem>>) src(%dma_wait3A_57 : memref<64x768xf32, #tpu.memory_space<hbm>>) dst(%arg8 : memref<64x768xf32, #tpu.memory_space<vmem>>)
      %dma_wait3A_58 = arith.constant 0 : i32
      %dma_wait3A_59 = arith.constant 0 : i32
      %dma_wait3A_60 = tpu.memref_slice %arg4[%dma_wait3A_58, %dma_wait3A_59] : memref<32776x768xf32, #tpu.memory_space<hbm>> -> memref<32776x768xf32, #tpu.memory_space<hbm>>
      tpu.wait_indirect_dma semaphore(%arg11 : memref<!tpu.dma_semaphore, #tpu.memory_space<semaphore_mem>>) src(%arg7 : memref<64x768xf32, #tpu.memory_space<vmem>>) dst(%dma_wait3A_60 : memref<32776x768xf32, #tpu.memory_space<hbm>>)
      %mul3A_61 = arith.constant 2 : i32
      %mul3A_62 = arith.muli %mul3A_61, %scan3A_17 : i32
      %add3A_63 = arith.constant 2 : i32
      %add3A_64 = arith.addi %mul3A_62, %add3A_63 : i32
      %lt3A = arith.constant 16 : i32
      %lt3A_65 = arith.cmpi slt, %add3A_64, %lt3A : i32
      %convert_element_type3A = arith.extui %lt3A_65 : i1 to i32
      %cond3A = arith.constant 0 : i32
      %cond3A_66 = arith.cmpi ne, %convert_element_type3A, %cond3A : i32
      scf.if %cond3A_66 {
        %mul3A_73 = arith.constant 2 : i32
        %mul3A_74 = arith.muli %mul3A_73, %scan3A_17 : i32
        %add3A_75 = arith.constant 2 : i32
        %add3A_76 = arith.addi %mul3A_74, %add3A_75 : i32
        %mul3A_77 = arith.constant 1024 : i32
        %mul3A_78 = arith.muli %add3A, %mul3A_77 : i32
        %mul3A_79 = arith.constant 64 : i32
        %mul3A_80 = arith.muli %add3A_76, %mul3A_79 : i32
        %add3A_81 = arith.addi %mul3A_78, %mul3A_80 : i32
        %multiple_of3A_82 = tpu.assume_multiple %add3A_81, 64 : i32
        %dma_start3A_83 = tpu.memref_slice %arg3[%multiple_of3A_82] : memref<32768xi32, #tpu.memory_space<hbm>> -> memref<64xi32, #tpu.memory_space<hbm>>
        %dma_start3A_84 = tpu.memref_slice %arg3[%multiple_of3A_82] : memref<32768xi32, #tpu.memory_space<hbm>> -> memref<64xi32, #tpu.memory_space<hbm>>
        tpu.enqueue_dma source(%dma_start3A_84 : memref<64xi32, #tpu.memory_space<hbm>>) target(%arg5 : memref<64xi32, #tpu.memory_space<vmem>>) target_semaphore(%arg9 : memref<!tpu.dma_semaphore, #tpu.memory_space<semaphore_mem>>)
        %add3A_85 = arith.constant 34816 : i32
        %add3A_86 = arith.addi %add3A_85, %multiple_of3A_82 : i32
        %dma_start3A_87 = arith.constant 0 : i32
        %dma_start3A_88 = tpu.memref_slice %arg2[%add3A_86, %dma_start3A_87] : memref<67584x768xf32, #tpu.memory_space<hbm>> -> memref<64x768xf32, #tpu.memory_space<hbm>>
        %dma_start3A_89 = arith.constant 0 : i32
        %dma_start3A_90 = tpu.memref_slice %arg2[%add3A_86, %dma_start3A_89] : memref<67584x768xf32, #tpu.memory_space<hbm>> -> memref<64x768xf32, #tpu.memory_space<hbm>>
        tpu.enqueue_dma source(%dma_start3A_90 : memref<64x768xf32, #tpu.memory_space<hbm>>) target(%arg7 : memref<64x768xf32, #tpu.memory_space<vmem>>) target_semaphore(%arg9 : memref<!tpu.dma_semaphore, #tpu.memory_space<semaphore_mem>>)
      } else {
      }
      %dma_start3A_67 = arith.constant 0 : i32
      %dma_start3A_68 = arith.constant 0 : i32
      %dma_start3A_69 = tpu.memref_slice %arg4[%dma_start3A_67, %dma_start3A_68] : memref<32776x768xf32, #tpu.memory_space<hbm>> -> memref<32776x768xf32, #tpu.memory_space<hbm>>
      tpu.enqueue_indirect_dma source(%arg8 : memref<64x768xf32, #tpu.memory_space<vmem>>) target(%dma_start3A_69 : memref<32776x768xf32, #tpu.memory_space<hbm>>) offsets(%arg6 : memref<64xi32, #tpu.memory_space<vmem>>) semaphore(%arg12 : memref<!tpu.dma_semaphore, #tpu.memory_space<semaphore_mem>>)
      %dma_wait3A_70 = arith.constant 0 : i32
      %dma_wait3A_71 = arith.constant 0 : i32
      %dma_wait3A_72 = tpu.memref_slice %arg4[%dma_wait3A_70, %dma_wait3A_71] : memref<32776x768xf32, #tpu.memory_space<hbm>> -> memref<32776x768xf32, #tpu.memory_space<hbm>>
      tpu.wait_indirect_dma semaphore(%arg12 : memref<!tpu.dma_semaphore, #tpu.memory_space<semaphore_mem>>) src(%arg8 : memref<64x768xf32, #tpu.memory_space<vmem>>) dst(%dma_wait3A_72 : memref<32776x768xf32, #tpu.memory_space<hbm>>)
    }
    %scan3A_16 = arith.constant 8 : i32
    return
  }
}

#map = affine_map<(d0, d1) -> (0, 0)>
#map1 = affine_map<(d0, d1) -> (0)>
module attributes {stable_mosaic.version = 14 : i64} {
  func.func @_sc_combine_body(%arg0: i32, %arg1: i32, %arg2: memref<67584x768xf32, #tpu.memory_space<hbm>>, %arg3: memref<32768xi32, #tpu.memory_space<hbm>>, %arg4: memref<32768x768xf32, #tpu.memory_space<hbm>>, %arg5: memref<64xi32, #tpu.memory_space<vmem>>, %arg6: memref<64xi32, #tpu.memory_space<vmem>>, %arg7: memref<64x768xf32, #tpu.memory_space<vmem>>, %arg8: memref<!tpu.dma_semaphore, #tpu.memory_space<semaphore_mem>>) attributes {dimension_semantics = [#tpu.dimension_semantics<core_parallel>, #tpu.dimension_semantics<subcore_parallel>], iteration_bounds = array<i64: 2, 16>, scalar_prefetch = 0 : i64, scratch_operands = 4 : i64, tpu.core_type = #tpu.core_type<sc_vector_subcore>, window_params = [{transform_indices = #map}, {transform_indices = #map1}, {transform_indices = #map}]} {
    %mul3A = arith.constant 2 : i32
    %mul3A_0 = arith.muli %arg1, %mul3A : i32
    %add3A = arith.addi %mul3A_0, %arg0 : i32
    %scan3A = arith.constant 0 : i32
    %scan3A_1 = arith.constant 0 : i32
    %scan3A_2 = arith.constant 16 : i32
    %scan3A_3 = arith.addi %scan3A_1, %scan3A_2 : i32
    %scan3A_4 = arith.constant 1 : i32
    scf.for %scan3A_6 = %scan3A_1 to %scan3A_3 step %scan3A_4  : i32 {
      %mul3A_7 = arith.constant 1024 : i32
      %mul3A_8 = arith.muli %add3A, %mul3A_7 : i32
      %mul3A_9 = arith.constant 64 : i32
      %mul3A_10 = arith.muli %scan3A_6, %mul3A_9 : i32
      %add3A_11 = arith.addi %mul3A_8, %mul3A_10 : i32
      %multiple_of3A = tpu.assume_multiple %add3A_11, 64 : i32
      "tpu.region"() ({
        %run_scoped3A = tpu.sem_alloc : memref<!tpu.dma_semaphore, #tpu.memory_space<semaphore_mem>>
        %dma_start3A_87 = tpu.memref_slice %arg3[%multiple_of3A] : memref<32768xi32, #tpu.memory_space<hbm>> -> memref<64xi32, #tpu.memory_space<hbm>>
        %dma_start3A_88 = tpu.memref_slice %arg3[%multiple_of3A] : memref<32768xi32, #tpu.memory_space<hbm>> -> memref<64xi32, #tpu.memory_space<hbm>>
        tpu.enqueue_dma source(%dma_start3A_88 : memref<64xi32, #tpu.memory_space<hbm>>) target(%arg5 : memref<64xi32, #tpu.memory_space<vmem>>) target_semaphore(%run_scoped3A : memref<!tpu.dma_semaphore, #tpu.memory_space<semaphore_mem>>)
        %dma_wait3A_89 = tpu.memref_slice %arg3[%multiple_of3A] : memref<32768xi32, #tpu.memory_space<hbm>> -> memref<64xi32, #tpu.memory_space<hbm>>
        %dma_wait3A_90 = tpu.memref_slice %arg3[%multiple_of3A] : memref<32768xi32, #tpu.memory_space<hbm>> -> memref<64xi32, #tpu.memory_space<hbm>>
        tpu.wait_dma2 semaphore(%run_scoped3A : memref<!tpu.dma_semaphore, #tpu.memory_space<semaphore_mem>>) src(%dma_wait3A_90 : memref<64xi32, #tpu.memory_space<hbm>>) dst(%arg5 : memref<64xi32, #tpu.memory_space<vmem>>)
        tpu.yield
      }) : () -> ()
      %get3A = arith.constant 0 : index
      %get3A_12 = tpu.vector_load %arg5[%get3A] {strides = array<i32>} : memref<64xi32, #tpu.memory_space<vmem>>, vector<16xi32>,
      %get3A_13 = vector.shape_cast %get3A_12 : vector<16xi32> to vector<16xi32>
      %add3A_14 = arith.constant 0 : i32
      %add3A_15 = arith.addi %multiple_of3A, %add3A_14 : i32
      %iota3A = tpu.iota {dimensions = array<i32: 0>} : vector<16xi32>
      %add3A_16 = vector.broadcast %add3A_15 : i32 to vector<16xi32>
      %add3A_17 = arith.addi %add3A_16, %iota3A : vector<16xi32>
      %lt3A = arith.constant 32768 : i32
      %lt3A_18 = vector.broadcast %lt3A : i32 to vector<16xi32>
      %lt3A_19 = arith.cmpi slt, %get3A_13, %lt3A_18 : vector<16xi32>
      %add3A_20 = arith.constant 34816 : i32
      %add3A_21 = vector.broadcast %add3A_20 : i32 to vector<16xi32>
      %add3A_22 = arith.addi %add3A_21, %add3A_17 : vector<16xi32>
      %select_n3A = arith.select %lt3A_19, %get3A_13, %add3A_22 : vector<16xi1>, vector<16xi32>
      %swap3A = arith.constant 0 : index
      %swap3A_23 = tpu.vector_load %arg6[%swap3A] {strides = array<i32>} : memref<64xi32, #tpu.memory_space<vmem>>, vector<16xi32>,
      %swap3A_24 = vector.shape_cast %swap3A_23 : vector<16xi32> to vector<16xi32>
      %swap3A_25 = vector.shape_cast %select_n3A : vector<16xi32> to vector<16xi32>
      tpu.vector_store %arg6[%swap3A], %swap3A_25 {strides = array<i32>} : memref<64xi32, #tpu.memory_space<vmem>>, vector<16xi32>,
      %get3A_26 = arith.constant 16 : index
      %get3A_27 = tpu.vector_load %arg5[%get3A_26] {strides = array<i32>} : memref<64xi32, #tpu.memory_space<vmem>>, vector<16xi32>,
      %get3A_28 = vector.shape_cast %get3A_27 : vector<16xi32> to vector<16xi32>
      %add3A_29 = arith.constant 16 : i32
      %add3A_30 = arith.addi %multiple_of3A, %add3A_29 : i32
      %iota3A_31 = tpu.iota {dimensions = array<i32: 0>} : vector<16xi32>
      %add3A_32 = vector.broadcast %add3A_30 : i32 to vector<16xi32>
      %add3A_33 = arith.addi %add3A_32, %iota3A_31 : vector<16xi32>
      %lt3A_34 = arith.constant 32768 : i32
      %lt3A_35 = vector.broadcast %lt3A_34 : i32 to vector<16xi32>
      %lt3A_36 = arith.cmpi slt, %get3A_28, %lt3A_35 : vector<16xi32>
      %add3A_37 = arith.constant 34816 : i32
      %add3A_38 = vector.broadcast %add3A_37 : i32 to vector<16xi32>
      %add3A_39 = arith.addi %add3A_38, %add3A_33 : vector<16xi32>
      %select_n3A_40 = arith.select %lt3A_36, %get3A_28, %add3A_39 : vector<16xi1>, vector<16xi32>
      %swap3A_41 = arith.constant 16 : index
      %swap3A_42 = tpu.vector_load %arg6[%swap3A_41] {strides = array<i32>} : memref<64xi32, #tpu.memory_space<vmem>>, vector<16xi32>,
      %swap3A_43 = vector.shape_cast %swap3A_42 : vector<16xi32> to vector<16xi32>
      %swap3A_44 = vector.shape_cast %select_n3A_40 : vector<16xi32> to vector<16xi32>
      tpu.vector_store %arg6[%swap3A_41], %swap3A_44 {strides = array<i32>} : memref<64xi32, #tpu.memory_space<vmem>>, vector<16xi32>,
      %get3A_45 = arith.constant 32 : index
      %get3A_46 = tpu.vector_load %arg5[%get3A_45] {strides = array<i32>} : memref<64xi32, #tpu.memory_space<vmem>>, vector<16xi32>,
      %get3A_47 = vector.shape_cast %get3A_46 : vector<16xi32> to vector<16xi32>
      %add3A_48 = arith.constant 32 : i32
      %add3A_49 = arith.addi %multiple_of3A, %add3A_48 : i32
      %iota3A_50 = tpu.iota {dimensions = array<i32: 0>} : vector<16xi32>
      %add3A_51 = vector.broadcast %add3A_49 : i32 to vector<16xi32>
      %add3A_52 = arith.addi %add3A_51, %iota3A_50 : vector<16xi32>
      %lt3A_53 = arith.constant 32768 : i32
      %lt3A_54 = vector.broadcast %lt3A_53 : i32 to vector<16xi32>
      %lt3A_55 = arith.cmpi slt, %get3A_47, %lt3A_54 : vector<16xi32>
      %add3A_56 = arith.constant 34816 : i32
      %add3A_57 = vector.broadcast %add3A_56 : i32 to vector<16xi32>
      %add3A_58 = arith.addi %add3A_57, %add3A_52 : vector<16xi32>
      %select_n3A_59 = arith.select %lt3A_55, %get3A_47, %add3A_58 : vector<16xi1>, vector<16xi32>
      %swap3A_60 = arith.constant 32 : index
      %swap3A_61 = tpu.vector_load %arg6[%swap3A_60] {strides = array<i32>} : memref<64xi32, #tpu.memory_space<vmem>>, vector<16xi32>,
      %swap3A_62 = vector.shape_cast %swap3A_61 : vector<16xi32> to vector<16xi32>
      %swap3A_63 = vector.shape_cast %select_n3A_59 : vector<16xi32> to vector<16xi32>
      tpu.vector_store %arg6[%swap3A_60], %swap3A_63 {strides = array<i32>} : memref<64xi32, #tpu.memory_space<vmem>>, vector<16xi32>,
      %get3A_64 = arith.constant 48 : index
      %get3A_65 = tpu.vector_load %arg5[%get3A_64] {strides = array<i32>} : memref<64xi32, #tpu.memory_space<vmem>>, vector<16xi32>,
      %get3A_66 = vector.shape_cast %get3A_65 : vector<16xi32> to vector<16xi32>
      %add3A_67 = arith.constant 48 : i32
      %add3A_68 = arith.addi %multiple_of3A, %add3A_67 : i32
      %iota3A_69 = tpu.iota {dimensions = array<i32: 0>} : vector<16xi32>
      %add3A_70 = vector.broadcast %add3A_68 : i32 to vector<16xi32>
      %add3A_71 = arith.addi %add3A_70, %iota3A_69 : vector<16xi32>
      %lt3A_72 = arith.constant 32768 : i32
      %lt3A_73 = vector.broadcast %lt3A_72 : i32 to vector<16xi32>
      %lt3A_74 = arith.cmpi slt, %get3A_66, %lt3A_73 : vector<16xi32>
      %add3A_75 = arith.constant 34816 : i32
      %add3A_76 = vector.broadcast %add3A_75 : i32 to vector<16xi32>
      %add3A_77 = arith.addi %add3A_76, %add3A_71 : vector<16xi32>
      %select_n3A_78 = arith.select %lt3A_74, %get3A_66, %add3A_77 : vector<16xi1>, vector<16xi32>
      %swap3A_79 = arith.constant 48 : index
      %swap3A_80 = tpu.vector_load %arg6[%swap3A_79] {strides = array<i32>} : memref<64xi32, #tpu.memory_space<vmem>>, vector<16xi32>,
      %swap3A_81 = vector.shape_cast %swap3A_80 : vector<16xi32> to vector<16xi32>
      %swap3A_82 = vector.shape_cast %select_n3A_78 : vector<16xi32> to vector<16xi32>
      tpu.vector_store %arg6[%swap3A_79], %swap3A_82 {strides = array<i32>} : memref<64xi32, #tpu.memory_space<vmem>>, vector<16xi32>,
      %dma_start3A = arith.constant 0 : i32
      %dma_start3A_83 = arith.constant 0 : i32
      %dma_start3A_84 = tpu.memref_slice %arg2[%dma_start3A, %dma_start3A_83] : memref<67584x768xf32, #tpu.memory_space<hbm>> -> memref<67584x768xf32, #tpu.memory_space<hbm>>
      tpu.enqueue_indirect_dma source(%dma_start3A_84 : memref<67584x768xf32, #tpu.memory_space<hbm>>) target(%arg7 : memref<64x768xf32, #tpu.memory_space<vmem>>) offsets(%arg6 : memref<64xi32, #tpu.memory_space<vmem>>) semaphore(%arg8 : memref<!tpu.dma_semaphore, #tpu.memory_space<semaphore_mem>>)
      %dma_wait3A = arith.constant 0 : i32
      %dma_wait3A_85 = arith.constant 0 : i32
      %dma_wait3A_86 = tpu.memref_slice %arg2[%dma_wait3A, %dma_wait3A_85] : memref<67584x768xf32, #tpu.memory_space<hbm>> -> memref<67584x768xf32, #tpu.memory_space<hbm>>
      tpu.wait_indirect_dma semaphore(%arg8 : memref<!tpu.dma_semaphore, #tpu.memory_space<semaphore_mem>>) src(%dma_wait3A_86 : memref<67584x768xf32, #tpu.memory_space<hbm>>) dst(%arg7 : memref<64x768xf32, #tpu.memory_space<vmem>>)
      "tpu.region"() ({
        %run_scoped3A = tpu.sem_alloc : memref<!tpu.dma_semaphore, #tpu.memory_space<semaphore_mem>>
        %dma_start3A_87 = arith.constant 0 : i32
        %dma_start3A_88 = tpu.memref_slice %arg4[%multiple_of3A, %dma_start3A_87] : memref<32768x768xf32, #tpu.memory_space<hbm>> -> memref<64x768xf32, #tpu.memory_space<hbm>>
        %dma_start3A_89 = arith.constant 0 : i32
        %dma_start3A_90 = tpu.memref_slice %arg4[%multiple_of3A, %dma_start3A_89] : memref<32768x768xf32, #tpu.memory_space<hbm>> -> memref<64x768xf32, #tpu.memory_space<hbm>>
        tpu.enqueue_dma source(%arg7 : memref<64x768xf32, #tpu.memory_space<vmem>>) target(%dma_start3A_90 : memref<64x768xf32, #tpu.memory_space<hbm>>) target_semaphore(%run_scoped3A : memref<!tpu.dma_semaphore, #tpu.memory_space<semaphore_mem>>)
        %dma_wait3A_91 = arith.constant 0 : i32
        %dma_wait3A_92 = tpu.memref_slice %arg4[%multiple_of3A, %dma_wait3A_91] : memref<32768x768xf32, #tpu.memory_space<hbm>> -> memref<64x768xf32, #tpu.memory_space<hbm>>
        %dma_wait3A_93 = arith.constant 0 : i32
        %dma_wait3A_94 = tpu.memref_slice %arg4[%multiple_of3A, %dma_wait3A_93] : memref<32768x768xf32, #tpu.memory_space<hbm>> -> memref<64x768xf32, #tpu.memory_space<hbm>>
        tpu.wait_dma2 semaphore(%run_scoped3A : memref<!tpu.dma_semaphore, #tpu.memory_space<semaphore_mem>>) src(%arg7 : memref<64x768xf32, #tpu.memory_space<vmem>>) dst(%dma_wait3A_94 : memref<64x768xf32, #tpu.memory_space<hbm>>)
        tpu.yield
      }) : () -> ()
    }
    %scan3A_5 = arith.constant 16 : i32
    return
  }
}

module attributes {stable_mosaic.version = 14 : i64} {
  func.func @_stage_a_body(%arg0: i32, %arg1: memref<2048x768xf32, #tpu.memory_space<vmem>>, %arg2: memref<2048x64xf32, #tpu.memory_space<vmem>>, %arg3: memref<768x64xf32, #tpu.memory_space<vmem>>, %arg4: memref<1x64xf32, #tpu.memory_space<vmem>>, %arg5: memref<1x768xf32, #tpu.memory_space<vmem>>, %arg6: memref<1x768xf32, #tpu.memory_space<vmem>>, %arg7: memref<2048x768xf32, #tpu.memory_space<vmem>>, %arg8: memref<1x1xf32, #tpu.memory_space<vmem>>, %arg9: memref<1x64xf32, #tpu.memory_space<vmem>>, %arg10: memref<1x64xf32, #tpu.memory_space<vmem>>) attributes {dimension_semantics = [#tpu.dimension_semantics<arbitrary>], iteration_bounds = array<i64: 16>, scalar_prefetch = 0 : i64, scratch_operands = 2 : i64, tpu.core_type = #tpu.core_type<tc>, window_params = [{transform_indices = @transform_0, window_bounds = array<i64: 2048, 768>}, {transform_indices = @transform_1, window_bounds = array<i64: 2048, 64>}, {pipeline_mode = #tpu.pipeline_mode<synchronous>, transform_indices = @transform_2, window_bounds = array<i64: 768, 64>}, {pipeline_mode = #tpu.pipeline_mode<synchronous>, transform_indices = @transform_3, window_bounds = array<i64: 1, 64>}, {pipeline_mode = #tpu.pipeline_mode<synchronous>, transform_indices = @transform_4, window_bounds = array<i64: 1, 768>}, {pipeline_mode = #tpu.pipeline_mode<synchronous>, transform_indices = @transform_5, window_bounds = array<i64: 1, 768>}, {transform_indices = @transform_6, window_bounds = array<i64: 2048, 768>}, {pipeline_mode = #tpu.pipeline_mode<synchronous>, transform_indices = @transform_7, window_bounds = array<i64: 1, 1>}]} {
    %get3A = arith.constant 0 : index
    %get3A_0 = arith.constant 0 : index
    %get3A_1 = vector.load %arg1[%get3A, %get3A_0] : memref<2048x768xf32, #tpu.memory_space<vmem>>, vector<2048x768xf32>
    %reduce_sum3A = arith.constant dense<0.000000e+00> : vector<2048xf32>
    %reduce_sum3A_2 = vector.multi_reduction <add>, %get3A_1, %reduce_sum3A [1] : vector<2048x768xf32> to vector<2048xf32>
    %broadcast_in_dim3A = vector.shape_cast %reduce_sum3A_2 : vector<2048xf32> to vector<2048x1xf32>
    %div3A = arith.constant 7.680000e+02 : f32
    %div3A_3 = vector.broadcast %div3A : f32 to vector<2048x1xf32>
    %div3A_4 = arith.divf %broadcast_in_dim3A, %div3A_3 : vector<2048x1xf32>
    %sub3A = vector.broadcast %div3A_4 : vector<2048x1xf32> to vector<2048x768xf32>
    %sub3A_5 = arith.subf %get3A_1, %sub3A : vector<2048x768xf32>
    %mul3A = arith.mulf %sub3A_5, %sub3A_5 : vector<2048x768xf32>
    %reduce_sum3A_6 = arith.constant dense<0.000000e+00> : vector<2048xf32>
    %reduce_sum3A_7 = vector.multi_reduction <add>, %mul3A, %reduce_sum3A_6 [1] : vector<2048x768xf32> to vector<2048xf32>
    %broadcast_in_dim3A_8 = vector.shape_cast %reduce_sum3A_7 : vector<2048xf32> to vector<2048x1xf32>
    %div3A_9 = arith.constant 7.680000e+02 : f32
    %div3A_10 = vector.broadcast %div3A_9 : f32 to vector<2048x1xf32>
    %div3A_11 = arith.divf %broadcast_in_dim3A_8, %div3A_10 : vector<2048x1xf32>
    %add3A = arith.constant 9.99999974E-6 : f32
    %add3A_12 = vector.broadcast %add3A : f32 to vector<2048x1xf32>
    %add3A_13 = arith.addf %div3A_11, %add3A_12 : vector<2048x1xf32>
    %sqrt3A = math.sqrt %add3A_13 : vector<2048x1xf32>
    %div3A_14 = vector.broadcast %sqrt3A : vector<2048x1xf32> to vector<2048x768xf32>
    %div3A_15 = arith.divf %sub3A_5, %div3A_14 : vector<2048x768xf32>
    %get3A_16 = arith.constant 0 : index
    %get3A_17 = arith.constant 0 : index
    %get3A_18 = vector.load %arg5[%get3A_16, %get3A_17] : memref<1x768xf32, #tpu.memory_space<vmem>>, vector<1x768xf32>
    %mul3A_19 = vector.broadcast %get3A_18 : vector<1x768xf32> to vector<2048x768xf32>
    %mul3A_20 = arith.mulf %div3A_15, %mul3A_19 : vector<2048x768xf32>
    %get3A_21 = arith.constant 0 : index
    %get3A_22 = arith.constant 0 : index
    %get3A_23 = vector.load %arg6[%get3A_21, %get3A_22] : memref<1x768xf32, #tpu.memory_space<vmem>>, vector<1x768xf32>
    %add3A_24 = vector.broadcast %get3A_23 : vector<1x768xf32> to vector<2048x768xf32>
    %add3A_25 = arith.addf %mul3A_20, %add3A_24 : vector<2048x768xf32>
    %swap3A = arith.constant 0 : index
    %swap3A_26 = arith.constant 0 : index
    %swap3A_27 = vector.load %arg7[%swap3A, %swap3A_26] : memref<2048x768xf32, #tpu.memory_space<vmem>>, vector<2048x768xf32>
    tpu.vector_store %arg7[%swap3A, %swap3A_26], %add3A_25 {strides = array<i32>} : memref<2048x768xf32, #tpu.memory_space<vmem>>, vector<2048x768xf32>,
    %convert_element_type3A = arith.truncf %add3A_25 : vector<2048x768xf32> to vector<2048x768xbf16>
    %get3A_28 = arith.constant 0 : index
    %get3A_29 = arith.constant 0 : index
    %get3A_30 = vector.load %arg3[%get3A_28, %get3A_29] : memref<768x64xf32, #tpu.memory_space<vmem>>, vector<768x64xf32>
    %convert_element_type3A_31 = arith.truncf %get3A_30 : vector<768x64xf32> to vector<768x64xbf16>
    %dot_general3A = arith.constant dense<0.000000e+00> : vector<2048x64xf32>
    %dot_general3A_32 = tpu.matmul %convert_element_type3A, %convert_element_type3A_31, %dot_general3A {dimension_numbers = #tpu.dot_dimension_numbers<[1], [0], [0], [1], [0, 0, 1, 1], [], []>, transpose_lhs_hint = false} : vector<2048x768xbf16>, vector<768x64xbf16>, vector<2048x64xf32> -> vector<2048x64xf32>
    %get3A_33 = arith.constant 0 : index
    %get3A_34 = arith.constant 0 : index
    %get3A_35 = vector.load %arg4[%get3A_33, %get3A_34] : memref<1x64xf32, #tpu.memory_space<vmem>>, vector<1x64xf32>
    %add3A_36 = vector.broadcast %get3A_35 : vector<1x64xf32> to vector<2048x64xf32>
    %add3A_37 = arith.addf %dot_general3A_32, %add3A_36 : vector<2048x64xf32>
    %eq3A = arith.constant 0 : i32
    %eq3A_38 = arith.cmpi eq, %arg0, %eq3A : i32
    %convert_element_type3A_39 = arith.extui %eq3A_38 : i1 to i32
    %cond3A = arith.constant 0 : i32
    %cond3A_40 = arith.cmpi ne, %convert_element_type3A_39, %cond3A : i32
    scf.if %cond3A_40 {
      %broadcast_in_dim3A_96 = arith.constant 0.000000e+00 : f32
      %broadcast_in_dim3A_97 = vector.broadcast %broadcast_in_dim3A_96 : f32 to vector<1x64xf32>
      %swap3A_98 = arith.constant 0 : index
      %swap3A_99 = arith.constant 0 : index
      %swap3A_100 = vector.load %arg9[%swap3A_98, %swap3A_99] : memref<1x64xf32, #tpu.memory_space<vmem>>, vector<1x64xf32>
      tpu.vector_store %arg9[%swap3A_98, %swap3A_99], %broadcast_in_dim3A_97 {strides = array<i32>} : memref<1x64xf32, #tpu.memory_space<vmem>>, vector<1x64xf32>,
      %broadcast_in_dim3A_101 = arith.constant 0.000000e+00 : f32
      %broadcast_in_dim3A_102 = vector.broadcast %broadcast_in_dim3A_101 : f32 to vector<1x64xf32>
      %swap3A_103 = arith.constant 0 : index
      %swap3A_104 = arith.constant 0 : index
      %swap3A_105 = vector.load %arg10[%swap3A_103, %swap3A_104] : memref<1x64xf32, #tpu.memory_space<vmem>>, vector<1x64xf32>
      tpu.vector_store %arg10[%swap3A_103, %swap3A_104], %broadcast_in_dim3A_102 {strides = array<i32>} : memref<1x64xf32, #tpu.memory_space<vmem>>, vector<1x64xf32>,
    } else {
    }
    %reduce_max3A = arith.constant dense<0xFF800000> : vector<2048xf32>
    %reduce_max3A_41 = vector.multi_reduction <maximumf>, %add3A_37, %reduce_max3A [1] : vector<2048x64xf32> to vector<2048xf32>
    %broadcast_in_dim3A_42 = vector.shape_cast %reduce_max3A_41 : vector<2048xf32> to vector<2048x1xf32>
    %sub3A_43 = vector.broadcast %broadcast_in_dim3A_42 : vector<2048x1xf32> to vector<2048x64xf32>
    %sub3A_44 = arith.subf %add3A_37, %sub3A_43 : vector<2048x64xf32>
    %exp3A = math.exp %sub3A_44 : vector<2048x64xf32>
    %reduce_sum3A_45 = arith.constant dense<0.000000e+00> : vector<2048xf32>
    %reduce_sum3A_46 = vector.multi_reduction <add>, %exp3A, %reduce_sum3A_45 [1] : vector<2048x64xf32> to vector<2048xf32>
    %broadcast_in_dim3A_47 = vector.shape_cast %reduce_sum3A_46 : vector<2048xf32> to vector<2048x1xf32>
    %div3A_48 = vector.broadcast %broadcast_in_dim3A_47 : vector<2048x1xf32> to vector<2048x64xf32>
    %div3A_49 = arith.divf %exp3A, %div3A_48 : vector<2048x64xf32>
    %get3A_50 = arith.constant 0 : index
    %get3A_51 = arith.constant 0 : index
    %get3A_52 = vector.load %arg9[%get3A_50, %get3A_51] : memref<1x64xf32, #tpu.memory_space<vmem>>, vector<1x64xf32>
    %reduce_sum3A_53 = arith.constant dense<0.000000e+00> : vector<64xf32>
    %reduce_sum3A_54 = vector.multi_reduction <add>, %div3A_49, %reduce_sum3A_53 [0] : vector<2048x64xf32> to vector<64xf32>
    %broadcast_in_dim3A_55 = vector.shape_cast %reduce_sum3A_54 : vector<64xf32> to vector<1x64xf32>
    %add3A_56 = arith.addf %get3A_52, %broadcast_in_dim3A_55 : vector<1x64xf32>
    %swap3A_57 = arith.constant 0 : index
    %swap3A_58 = arith.constant 0 : index
    %swap3A_59 = vector.load %arg9[%swap3A_57, %swap3A_58] : memref<1x64xf32, #tpu.memory_space<vmem>>, vector<1x64xf32>
    tpu.vector_store %arg9[%swap3A_57, %swap3A_58], %add3A_56 {strides = array<i32>} : memref<1x64xf32, #tpu.memory_space<vmem>>, vector<1x64xf32>,
    %get3A_60 = arith.constant 0 : index
    %get3A_61 = arith.constant 0 : index
    %get3A_62 = vector.load %arg2[%get3A_60, %get3A_61] : memref<2048x64xf32, #tpu.memory_space<vmem>>, vector<2048x64xf32>
    %add3A_63 = arith.addf %add3A_37, %get3A_62 : vector<2048x64xf32>
    %reduce_max3A_64 = arith.constant dense<0xFF800000> : vector<2048xf32>
    %reduce_max3A_65 = vector.multi_reduction <maximumf>, %add3A_63, %reduce_max3A_64 [1] : vector<2048x64xf32> to vector<2048xf32>
    %broadcast_in_dim3A_66 = vector.shape_cast %reduce_max3A_65 : vector<2048xf32> to vector<2048x1xf32>
    %sub3A_67 = vector.broadcast %broadcast_in_dim3A_66 : vector<2048x1xf32> to vector<2048x64xf32>
    %sub3A_68 = arith.subf %sub3A_67, %add3A_37 : vector<2048x64xf32>
    %mul3A_69 = arith.constant 6.400000e+01 : f32
    %mul3A_70 = vector.broadcast %mul3A_69 : f32 to vector<2048x64xf32>
    %mul3A_71 = arith.mulf %sub3A_68, %mul3A_70 : vector<2048x64xf32>
    %mul3A_72 = arith.constant 0.707106769 : f32
    %mul3A_73 = vector.broadcast %mul3A_72 : f32 to vector<2048x64xf32>
    %mul3A_74 = arith.mulf %mul3A_71, %mul3A_73 : vector<2048x64xf32>
    %erf3A = math.erf %mul3A_74 : vector<2048x64xf32>
    %sub3A_75 = arith.constant 1.000000e+00 : f32
    %sub3A_76 = vector.broadcast %sub3A_75 : f32 to vector<2048x64xf32>
    %sub3A_77 = arith.subf %sub3A_76, %erf3A : vector<2048x64xf32>
    %mul3A_78 = arith.constant 5.000000e-01 : f32
    %mul3A_79 = vector.broadcast %mul3A_78 : f32 to vector<2048x64xf32>
    %mul3A_80 = arith.mulf %mul3A_79, %sub3A_77 : vector<2048x64xf32>
    %get3A_81 = arith.constant 0 : index
    %get3A_82 = arith.constant 0 : index
    %get3A_83 = vector.load %arg10[%get3A_81, %get3A_82] : memref<1x64xf32, #tpu.memory_space<vmem>>, vector<1x64xf32>
    %reduce_sum3A_84 = arith.constant dense<0.000000e+00> : vector<64xf32>
    %reduce_sum3A_85 = vector.multi_reduction <add>, %mul3A_80, %reduce_sum3A_84 [0] : vector<2048x64xf32> to vector<64xf32>
    %broadcast_in_dim3A_86 = vector.shape_cast %reduce_sum3A_85 : vector<64xf32> to vector<1x64xf32>
    %add3A_87 = arith.addf %get3A_83, %broadcast_in_dim3A_86 : vector<1x64xf32>
    %swap3A_88 = arith.constant 0 : index
    %swap3A_89 = arith.constant 0 : index
    %swap3A_90 = vector.load %arg10[%swap3A_88, %swap3A_89] : memref<1x64xf32, #tpu.memory_space<vmem>>, vector<1x64xf32>
    tpu.vector_store %arg10[%swap3A_88, %swap3A_89], %add3A_87 {strides = array<i32>} : memref<1x64xf32, #tpu.memory_space<vmem>>, vector<1x64xf32>,
    %eq3A_91 = arith.constant 15 : i32
    %eq3A_92 = arith.cmpi eq, %arg0, %eq3A_91 : i32
    %convert_element_type3A_93 = arith.extui %eq3A_92 : i1 to i32
    %cond3A_94 = arith.constant 0 : i32
    %cond3A_95 = arith.cmpi ne, %convert_element_type3A_93, %cond3A_94 : i32
    scf.if %cond3A_95 {
      %get3A_96 = arith.constant 0 : index
      %get3A_97 = arith.constant 0 : index
      %get3A_98 = vector.load %arg9[%get3A_96, %get3A_97] : memref<1x64xf32, #tpu.memory_space<vmem>>, vector<1x64xf32>
      %reduce_sum3A_99 = vector.shape_cast %get3A_98 : vector<1x64xf32> to vector<1x1x64xf32>
      %reduce_sum3A_100 = arith.constant dense<0.000000e+00> : vector<1xf32>
      %reduce_sum3A_101 = vector.multi_reduction <add>, %reduce_sum3A_99, %reduce_sum3A_100 [1, 2] : vector<1x1x64xf32> to vector<1xf32>
      %reduce_sum3A_102 = vector.shape_cast %reduce_sum3A_101 : vector<1xf32> to vector<1x1x1xf32>
      %reduce_sum3A_103 = vector.extract %reduce_sum3A_102[0, 0, 0] : f32 from vector<1x1x1xf32>
      %div3A_104 = arith.constant 6.400000e+01 : f32
      %div3A_105 = arith.divf %reduce_sum3A_103, %div3A_104 : f32
      %sub3A_106 = vector.broadcast %div3A_105 : f32 to vector<1x64xf32>
      %sub3A_107 = arith.subf %get3A_98, %sub3A_106 : vector<1x64xf32>
      %integer_pow3A = arith.mulf %sub3A_107, %sub3A_107 : vector<1x64xf32>
      %reduce_sum3A_108 = vector.shape_cast %integer_pow3A : vector<1x64xf32> to vector<1x1x64xf32>
      %reduce_sum3A_109 = arith.constant dense<0.000000e+00> : vector<1xf32>
      %reduce_sum3A_110 = vector.multi_reduction <add>, %reduce_sum3A_108, %reduce_sum3A_109 [1, 2] : vector<1x1x64xf32> to vector<1xf32>
      %reduce_sum3A_111 = vector.shape_cast %reduce_sum3A_110 : vector<1xf32> to vector<1x1x1xf32>
      %reduce_sum3A_112 = vector.extract %reduce_sum3A_111[0, 0, 0] : f32 from vector<1x1x1xf32>
      %div3A_113 = arith.constant 6.300000e+01 : f32
      %div3A_114 = arith.divf %reduce_sum3A_112, %div3A_113 : f32
      %add3A_115 = arith.constant 9.99999993E-9 : f32
      %add3A_116 = arith.addf %div3A_105, %add3A_115 : f32
      %integer_pow3A_117 = arith.mulf %add3A_116, %add3A_116 : f32
      %div3A_118 = arith.divf %div3A_114, %integer_pow3A_117 : f32
      %get3A_119 = arith.constant 0 : index
      %get3A_120 = arith.constant 0 : index
      %get3A_121 = vector.load %arg10[%get3A_119, %get3A_120] : memref<1x64xf32, #tpu.memory_space<vmem>>, vector<1x64xf32>
      %div3A_122 = arith.constant 3.276800e+04 : f32
      %div3A_123 = vector.broadcast %div3A_122 : f32 to vector<1x64xf32>
      %div3A_124 = arith.divf %get3A_121, %div3A_123 : vector<1x64xf32>
      %reduce_sum3A_125 = vector.shape_cast %div3A_124 : vector<1x64xf32> to vector<1x1x64xf32>
      %reduce_sum3A_126 = arith.constant dense<0.000000e+00> : vector<1xf32>
      %reduce_sum3A_127 = vector.multi_reduction <add>, %reduce_sum3A_125, %reduce_sum3A_126 [1, 2] : vector<1x1x64xf32> to vector<1xf32>
      %reduce_sum3A_128 = vector.shape_cast %reduce_sum3A_127 : vector<1xf32> to vector<1x1x1xf32>
      %reduce_sum3A_129 = vector.extract %reduce_sum3A_128[0, 0, 0] : f32 from vector<1x1x1xf32>
      %div3A_130 = arith.constant 6.400000e+01 : f32
      %div3A_131 = arith.divf %reduce_sum3A_129, %div3A_130 : f32
      %sub3A_132 = vector.broadcast %div3A_131 : f32 to vector<1x64xf32>
      %sub3A_133 = arith.subf %div3A_124, %sub3A_132 : vector<1x64xf32>
      %integer_pow3A_134 = arith.mulf %sub3A_133, %sub3A_133 : vector<1x64xf32>
      %reduce_sum3A_135 = vector.shape_cast %integer_pow3A_134 : vector<1x64xf32> to vector<1x1x64xf32>
      %reduce_sum3A_136 = arith.constant dense<0.000000e+00> : vector<1xf32>
      %reduce_sum3A_137 = vector.multi_reduction <add>, %reduce_sum3A_135, %reduce_sum3A_136 [1, 2] : vector<1x1x64xf32> to vector<1xf32>
      %reduce_sum3A_138 = vector.shape_cast %reduce_sum3A_137 : vector<1xf32> to vector<1x1x1xf32>
      %reduce_sum3A_139 = vector.extract %reduce_sum3A_138[0, 0, 0] : f32 from vector<1x1x1xf32>
      %div3A_140 = arith.constant 6.300000e+01 : f32
      %div3A_141 = arith.divf %reduce_sum3A_139, %div3A_140 : f32
      %add3A_142 = arith.constant 9.99999993E-9 : f32
      %add3A_143 = arith.addf %div3A_131, %add3A_142 : f32
      %integer_pow3A_144 = arith.mulf %add3A_143, %add3A_143 : f32
      %div3A_145 = arith.divf %div3A_141, %integer_pow3A_144 : f32
      %broadcast_in_dim3A_146 = arith.constant 5.000000e-01 : f32
      %broadcast_in_dim3A_147 = vector.broadcast %broadcast_in_dim3A_146 : f32 to vector<1x1xf32>
      %add3A_148 = arith.addf %div3A_118, %div3A_145 : f32
      %mul3A_149 = vector.broadcast %add3A_148 : f32 to vector<1x1xf32>
      %mul3A_150 = arith.mulf %broadcast_in_dim3A_147, %mul3A_149 : vector<1x1xf32>
      %swap3A_151 = arith.constant 0 : index
      %swap3A_152 = arith.constant 0 : index
      %swap3A_153 = vector.load %arg8[%swap3A_151, %swap3A_152] : memref<1x1xf32, #tpu.memory_space<vmem>>, vector<1x1xf32>
      tpu.vector_store %arg8[%swap3A_151, %swap3A_152], %mul3A_150 {strides = array<i32>} : memref<1x1xf32, #tpu.memory_space<vmem>>, vector<1x1xf32>,
    } else {
    }
    return
  }
  func.func @transform_0(%arg0: i32) -> (i32, i32) {
    %c0_i32 = arith.constant 0 : i32
    %c0_i32_0 = arith.constant 0 : i32
    return %arg0, %c0_i32 : i32, i32
  }
  func.func @transform_1(%arg0: i32) -> (i32, i32) {
    %c0_i32 = arith.constant 0 : i32
    %c0_i32_0 = arith.constant 0 : i32
    return %arg0, %c0_i32 : i32, i32
  }
  func.func @transform_2(%arg0: i32) -> (i32, i32) {
    %c0_i32 = arith.constant 0 : i32
    %c0_i32_0 = arith.constant 0 : i32
    %c0_i32_1 = arith.constant 0 : i32
    return %c0_i32, %c0_i32_0 : i32, i32
  }
  func.func @transform_3(%arg0: i32) -> (i32, i32) {
    %c0_i32 = arith.constant 0 : i32
    %c0_i32_0 = arith.constant 0 : i32
    %c0_i32_1 = arith.constant 0 : i32
    return %c0_i32, %c0_i32_0 : i32, i32
  }
  func.func @transform_4(%arg0: i32) -> (i32, i32) {
    %c0_i32 = arith.constant 0 : i32
    %c0_i32_0 = arith.constant 0 : i32
    %c0_i32_1 = arith.constant 0 : i32
    return %c0_i32, %c0_i32_0 : i32, i32
  }
  func.func @transform_5(%arg0: i32) -> (i32, i32) {
    %c0_i32 = arith.constant 0 : i32
    %c0_i32_0 = arith.constant 0 : i32
    %c0_i32_1 = arith.constant 0 : i32
    return %c0_i32, %c0_i32_0 : i32, i32
  }
  func.func @transform_6(%arg0: i32) -> (i32, i32) {
    %add3A = arith.constant 17 : i32
    %add3A_0 = arith.addi %arg0, %add3A : i32
    %c0_i32 = arith.constant 0 : i32
    %c0_i32_1 = arith.constant 0 : i32
    return %add3A_0, %c0_i32 : i32, i32
  }
  func.func @transform_7(%arg0: i32) -> (i32, i32) {
    %c0_i32 = arith.constant 0 : i32
    %c0_i32_0 = arith.constant 0 : i32
    %c0_i32_1 = arith.constant 0 : i32
    return %c0_i32, %c0_i32_0 : i32, i32
  }
}

module attributes {stable_mosaic.version = 14 : i64} {
  func.func @_stage_b1_body(%arg0: i32, %arg1: memref<1x1x512xi32, #tpu.memory_space<vmem>>, %arg2: memref<1x1x512xf32, #tpu.memory_space<vmem>>, %arg3: memref<1x64x8xf32, #tpu.memory_space<vmem>>, %arg4: memref<64x8xf32, #tpu.memory_space<vmem>>) attributes {dimension_semantics = [#tpu.dimension_semantics<arbitrary>], iteration_bounds = array<i64: 65>, scalar_prefetch = 0 : i64, scratch_operands = 1 : i64, tpu.core_type = #tpu.core_type<tc>, window_params = [{transform_indices = @transform_0, window_bounds = array<i64: 1, 1, 512>}, {transform_indices = @transform_1, window_bounds = array<i64: 1, 1, 512>}, {transform_indices = @transform_2, window_bounds = array<i64: 1, 64, 8>}]} {
    %eq3A = arith.constant 0 : i32
    %eq3A_0 = arith.cmpi eq, %arg0, %eq3A : i32
    %convert_element_type3A = arith.extui %eq3A_0 : i1 to i32
    %cond3A = arith.constant 0 : i32
    %cond3A_1 = arith.cmpi ne, %convert_element_type3A, %cond3A : i32
    scf.if %cond3A_1 {
      %broadcast_in_dim3A = arith.constant 0.000000e+00 : f32
      %broadcast_in_dim3A_11 = vector.broadcast %broadcast_in_dim3A : f32 to vector<64x8xf32>
      %swap3A_12 = arith.constant 0 : index
      %swap3A_13 = arith.constant 0 : index
      %swap3A_14 = vector.load %arg4[%swap3A_12, %swap3A_13] : memref<64x8xf32, #tpu.memory_space<vmem>>, vector<64x8xf32>
      tpu.vector_store %arg4[%swap3A_12, %swap3A_13], %broadcast_in_dim3A_11 {strides = array<i32>} : memref<64x8xf32, #tpu.memory_space<vmem>>, vector<64x8xf32>,
    } else {
    }
    %get3A = arith.constant 0 : index
    %get3A_2 = arith.constant 0 : index
    %get3A_3 = vector.load %arg4[%get3A, %get3A_2] : memref<64x8xf32, #tpu.memory_space<vmem>>, vector<64x8xf32>
    %reshape3A = vector.shape_cast %get3A_3 : vector<64x8xf32> to vector<1x64x8xf32>
    %swap3A = arith.constant 0 : index
    %swap3A_4 = arith.constant 0 : index
    %swap3A_5 = arith.constant 0 : index
    %swap3A_6 = vector.load %arg3[%swap3A, %swap3A_4, %swap3A_5] : memref<1x64x8xf32, #tpu.memory_space<vmem>>, vector<1x64x8xf32>
    tpu.vector_store %arg3[%swap3A, %swap3A_4, %swap3A_5], %reshape3A {strides = array<i32>} : memref<1x64x8xf32, #tpu.memory_space<vmem>>, vector<1x64x8xf32>,
    %lt3A = arith.constant 64 : i32
    %lt3A_7 = arith.cmpi slt, %arg0, %lt3A : i32
    %convert_element_type3A_8 = arith.extui %lt3A_7 : i1 to i32
    %cond3A_9 = arith.constant 0 : i32
    %cond3A_10 = arith.cmpi ne, %convert_element_type3A_8, %cond3A_9 : i32
    scf.if %cond3A_10 {
      %get3A_11 = arith.constant 0 : index
      %get3A_12 = arith.constant 0 : index
      %get3A_13 = arith.constant 0 : index
      %get3A_14 = vector.load %arg1[%get3A_11, %get3A_12, %get3A_13] : memref<1x1x512xi32, #tpu.memory_space<vmem>>, vector<1x1x512xi32>
      %reshape3A_15 = vector.shape_cast %get3A_14 : vector<1x1x512xi32> to vector<1x512xi32>
      %get3A_16 = arith.constant 0 : index
      %get3A_17 = arith.constant 0 : index
      %get3A_18 = arith.constant 0 : index
      %get3A_19 = vector.load %arg2[%get3A_16, %get3A_17, %get3A_18] : memref<1x1x512xf32, #tpu.memory_space<vmem>>, vector<1x1x512xf32>
      %reshape3A_20 = vector.shape_cast %get3A_19 : vector<1x1x512xf32> to vector<1x512xf32>
      %bitcast_convert_type3A = tpu.bitcast %reshape3A_20 : vector<1x512xf32> -> vector<1x512xi32>
      %sub3A = arith.constant 1065353216 : i32
      %sub3A_21 = vector.broadcast %sub3A : i32 to vector<1x512xi32>
      %sub3A_22 = arith.subi %sub3A_21, %bitcast_convert_type3A : vector<1x512xi32>
      %add3A = arith.constant 1 : i32
      %add3A_23 = vector.broadcast %add3A : i32 to vector<1x512xi32>
      %add3A_24 = arith.addi %sub3A_22, %add3A_23 : vector<1x512xi32>
      %jit3A = arith.constant 0 : i32
      %jit3A_25 = arith.constant 7 : i32
      %max3A = vector.broadcast %jit3A : i32 to vector<1x512xi32>
      %max3A_26 = arith.maxsi %max3A, %add3A_24 : vector<1x512xi32>
      %min3A = vector.broadcast %jit3A_25 : i32 to vector<1x512xi32>
      %min3A_27 = arith.minsi %min3A, %max3A_26 : vector<1x512xi32>
      %iota3A = tpu.iota {dimensions = array<i32: 0>} : vector<64x1xi32>
      %eq3A_28 = vector.broadcast %reshape3A_15 : vector<1x512xi32> to vector<64x512xi32>
      %eq3A_29 = vector.broadcast %iota3A : vector<64x1xi32> to vector<64x512xi32>
      %eq3A_30 = arith.cmpi eq, %eq3A_28, %eq3A_29 : vector<64x512xi32>
      %convert_element_type3A_31 = arith.extui %eq3A_30 : vector<64x512xi1> to vector<64x512xi32>
      %convert_element_type3A_32 = arith.sitofp %convert_element_type3A_31 : vector<64x512xi32> to vector<64x512xf32>
      %eq3A_33 = arith.constant 0 : i32
      %eq3A_34 = vector.broadcast %eq3A_33 : i32 to vector<1x512xi32>
      %eq3A_35 = arith.cmpi eq, %min3A_27, %eq3A_34 : vector<1x512xi32>
      %convert_element_type3A_36 = arith.extui %eq3A_35 : vector<1x512xi1> to vector<1x512xi32>
      %convert_element_type3A_37 = arith.sitofp %convert_element_type3A_36 : vector<1x512xi32> to vector<1x512xf32>
      %get3A_38 = arith.constant 0 : index
      %get3A_39 = arith.constant 0 : index
      %get3A_40 = vector.load %arg4[%get3A_38, %get3A_39] : memref<64x8xf32, #tpu.memory_space<vmem>>, vector<64x1xf32>
      %mul3A = vector.broadcast %convert_element_type3A_37 : vector<1x512xf32> to vector<64x512xf32>
      %mul3A_41 = arith.mulf %convert_element_type3A_32, %mul3A : vector<64x512xf32>
      %reduce_sum3A = arith.constant dense<0.000000e+00> : vector<64xf32>
      %reduce_sum3A_42 = vector.multi_reduction <add>, %mul3A_41, %reduce_sum3A [1] : vector<64x512xf32> to vector<64xf32>
      %broadcast_in_dim3A = vector.shape_cast %reduce_sum3A_42 : vector<64xf32> to vector<64x1xf32>
      %add3A_43 = arith.addf %get3A_40, %broadcast_in_dim3A : vector<64x1xf32>
      %swap3A_44 = arith.constant 0 : index
      %swap3A_45 = arith.constant 0 : index
      %swap3A_46 = vector.load %arg4[%swap3A_44, %swap3A_45] : memref<64x8xf32, #tpu.memory_space<vmem>>, vector<64x1xf32>
      tpu.vector_store %arg4[%swap3A_44, %swap3A_45], %add3A_43 {strides = array<i32>} : memref<64x8xf32, #tpu.memory_space<vmem>>, vector<64x1xf32>,
      %eq3A_47 = arith.constant 1 : i32
      %eq3A_48 = vector.broadcast %eq3A_47 : i32 to vector<1x512xi32>
      %eq3A_49 = arith.cmpi eq, %min3A_27, %eq3A_48 : vector<1x512xi32>
      %convert_element_type3A_50 = arith.extui %eq3A_49 : vector<1x512xi1> to vector<1x512xi32>
      %convert_element_type3A_51 = arith.sitofp %convert_element_type3A_50 : vector<1x512xi32> to vector<1x512xf32>
      %get3A_52 = arith.constant 0 : index
      %get3A_53 = arith.constant 1 : index
      %get3A_54 = vector.load %arg4[%get3A_52, %get3A_53] : memref<64x8xf32, #tpu.memory_space<vmem>>, vector<64x1xf32>
      %mul3A_55 = vector.broadcast %convert_element_type3A_51 : vector<1x512xf32> to vector<64x512xf32>
      %mul3A_56 = arith.mulf %convert_element_type3A_32, %mul3A_55 : vector<64x512xf32>
      %reduce_sum3A_57 = arith.constant dense<0.000000e+00> : vector<64xf32>
      %reduce_sum3A_58 = vector.multi_reduction <add>, %mul3A_56, %reduce_sum3A_57 [1] : vector<64x512xf32> to vector<64xf32>
      %broadcast_in_dim3A_59 = vector.shape_cast %reduce_sum3A_58 : vector<64xf32> to vector<64x1xf32>
      %add3A_60 = arith.addf %get3A_54, %broadcast_in_dim3A_59 : vector<64x1xf32>
      %swap3A_61 = arith.constant 0 : index
      %swap3A_62 = arith.constant 1 : index
      %swap3A_63 = vector.load %arg4[%swap3A_61, %swap3A_62] : memref<64x8xf32, #tpu.memory_space<vmem>>, vector<64x1xf32>
      tpu.vector_store %arg4[%swap3A_61, %swap3A_62], %add3A_60 {strides = array<i32>} : memref<64x8xf32, #tpu.memory_space<vmem>>, vector<64x1xf32>,
      %eq3A_64 = arith.constant 2 : i32
      %eq3A_65 = vector.broadcast %eq3A_64 : i32 to vector<1x512xi32>
      %eq3A_66 = arith.cmpi eq, %min3A_27, %eq3A_65 : vector<1x512xi32>
      %convert_element_type3A_67 = arith.extui %eq3A_66 : vector<1x512xi1> to vector<1x512xi32>
      %convert_element_type3A_68 = arith.sitofp %convert_element_type3A_67 : vector<1x512xi32> to vector<1x512xf32>
      %get3A_69 = arith.constant 0 : index
      %get3A_70 = arith.constant 2 : index
      %get3A_71 = vector.load %arg4[%get3A_69, %get3A_70] : memref<64x8xf32, #tpu.memory_space<vmem>>, vector<64x1xf32>
      %mul3A_72 = vector.broadcast %convert_element_type3A_68 : vector<1x512xf32> to vector<64x512xf32>
      %mul3A_73 = arith.mulf %convert_element_type3A_32, %mul3A_72 : vector<64x512xf32>
      %reduce_sum3A_74 = arith.constant dense<0.000000e+00> : vector<64xf32>
      %reduce_sum3A_75 = vector.multi_reduction <add>, %mul3A_73, %reduce_sum3A_74 [1] : vector<64x512xf32> to vector<64xf32>
      %broadcast_in_dim3A_76 = vector.shape_cast %reduce_sum3A_75 : vector<64xf32> to vector<64x1xf32>
      %add3A_77 = arith.addf %get3A_71, %broadcast_in_dim3A_76 : vector<64x1xf32>
      %swap3A_78 = arith.constant 0 : index
      %swap3A_79 = arith.constant 2 : index
      %swap3A_80 = vector.load %arg4[%swap3A_78, %swap3A_79] : memref<64x8xf32, #tpu.memory_space<vmem>>, vector<64x1xf32>
      tpu.vector_store %arg4[%swap3A_78, %swap3A_79], %add3A_77 {strides = array<i32>} : memref<64x8xf32, #tpu.memory_space<vmem>>, vector<64x1xf32>,
      %eq3A_81 = arith.constant 3 : i32
      %eq3A_82 = vector.broadcast %eq3A_81 : i32 to vector<1x512xi32>
      %eq3A_83 = arith.cmpi eq, %min3A_27, %eq3A_82 : vector<1x512xi32>
      %convert_element_type3A_84 = arith.extui %eq3A_83 : vector<1x512xi1> to vector<1x512xi32>
      %convert_element_type3A_85 = arith.sitofp %convert_element_type3A_84 : vector<1x512xi32> to vector<1x512xf32>
      %get3A_86 = arith.constant 0 : index
      %get3A_87 = arith.constant 3 : index
      %get3A_88 = vector.load %arg4[%get3A_86, %get3A_87] : memref<64x8xf32, #tpu.memory_space<vmem>>, vector<64x1xf32>
      %mul3A_89 = vector.broadcast %convert_element_type3A_85 : vector<1x512xf32> to vector<64x512xf32>
      %mul3A_90 = arith.mulf %convert_element_type3A_32, %mul3A_89 : vector<64x512xf32>
      %reduce_sum3A_91 = arith.constant dense<0.000000e+00> : vector<64xf32>
      %reduce_sum3A_92 = vector.multi_reduction <add>, %mul3A_90, %reduce_sum3A_91 [1] : vector<64x512xf32> to vector<64xf32>
      %broadcast_in_dim3A_93 = vector.shape_cast %reduce_sum3A_92 : vector<64xf32> to vector<64x1xf32>
      %add3A_94 = arith.addf %get3A_88, %broadcast_in_dim3A_93 : vector<64x1xf32>
      %swap3A_95 = arith.constant 0 : index
      %swap3A_96 = arith.constant 3 : index
      %swap3A_97 = vector.load %arg4[%swap3A_95, %swap3A_96] : memref<64x8xf32, #tpu.memory_space<vmem>>, vector<64x1xf32>
      tpu.vector_store %arg4[%swap3A_95, %swap3A_96], %add3A_94 {strides = array<i32>} : memref<64x8xf32, #tpu.memory_space<vmem>>, vector<64x1xf32>,
      %eq3A_98 = arith.constant 4 : i32
      %eq3A_99 = vector.broadcast %eq3A_98 : i32 to vector<1x512xi32>
      %eq3A_100 = arith.cmpi eq, %min3A_27, %eq3A_99 : vector<1x512xi32>
      %convert_element_type3A_101 = arith.extui %eq3A_100 : vector<1x512xi1> to vector<1x512xi32>
      %convert_element_type3A_102 = arith.sitofp %convert_element_type3A_101 : vector<1x512xi32> to vector<1x512xf32>
      %get3A_103 = arith.constant 0 : index
      %get3A_104 = arith.constant 4 : index
      %get3A_105 = vector.load %arg4[%get3A_103, %get3A_104] : memref<64x8xf32, #tpu.memory_space<vmem>>, vector<64x1xf32>
      %mul3A_106 = vector.broadcast %convert_element_type3A_102 : vector<1x512xf32> to vector<64x512xf32>
      %mul3A_107 = arith.mulf %convert_element_type3A_32, %mul3A_106 : vector<64x512xf32>
      %reduce_sum3A_108 = arith.constant dense<0.000000e+00> : vector<64xf32>
      %reduce_sum3A_109 = vector.multi_reduction <add>, %mul3A_107, %reduce_sum3A_108 [1] : vector<64x512xf32> to vector<64xf32>
      %broadcast_in_dim3A_110 = vector.shape_cast %reduce_sum3A_109 : vector<64xf32> to vector<64x1xf32>
      %add3A_111 = arith.addf %get3A_105, %broadcast_in_dim3A_110 : vector<64x1xf32>
      %swap3A_112 = arith.constant 0 : index
      %swap3A_113 = arith.constant 4 : index
      %swap3A_114 = vector.load %arg4[%swap3A_112, %swap3A_113] : memref<64x8xf32, #tpu.memory_space<vmem>>, vector<64x1xf32>
      tpu.vector_store %arg4[%swap3A_112, %swap3A_113], %add3A_111 {strides = array<i32>} : memref<64x8xf32, #tpu.memory_space<vmem>>, vector<64x1xf32>,
      %eq3A_115 = arith.constant 5 : i32
      %eq3A_116 = vector.broadcast %eq3A_115 : i32 to vector<1x512xi32>
      %eq3A_117 = arith.cmpi eq, %min3A_27, %eq3A_116 : vector<1x512xi32>
      %convert_element_type3A_118 = arith.extui %eq3A_117 : vector<1x512xi1> to vector<1x512xi32>
      %convert_element_type3A_119 = arith.sitofp %convert_element_type3A_118 : vector<1x512xi32> to vector<1x512xf32>
      %get3A_120 = arith.constant 0 : index
      %get3A_121 = arith.constant 5 : index
      %get3A_122 = vector.load %arg4[%get3A_120, %get3A_121] : memref<64x8xf32, #tpu.memory_space<vmem>>, vector<64x1xf32>
      %mul3A_123 = vector.broadcast %convert_element_type3A_119 : vector<1x512xf32> to vector<64x512xf32>
      %mul3A_124 = arith.mulf %convert_element_type3A_32, %mul3A_123 : vector<64x512xf32>
      %reduce_sum3A_125 = arith.constant dense<0.000000e+00> : vector<64xf32>
      %reduce_sum3A_126 = vector.multi_reduction <add>, %mul3A_124, %reduce_sum3A_125 [1] : vector<64x512xf32> to vector<64xf32>
      %broadcast_in_dim3A_127 = vector.shape_cast %reduce_sum3A_126 : vector<64xf32> to vector<64x1xf32>
      %add3A_128 = arith.addf %get3A_122, %broadcast_in_dim3A_127 : vector<64x1xf32>
      %swap3A_129 = arith.constant 0 : index
      %swap3A_130 = arith.constant 5 : index
      %swap3A_131 = vector.load %arg4[%swap3A_129, %swap3A_130] : memref<64x8xf32, #tpu.memory_space<vmem>>, vector<64x1xf32>
      tpu.vector_store %arg4[%swap3A_129, %swap3A_130], %add3A_128 {strides = array<i32>} : memref<64x8xf32, #tpu.memory_space<vmem>>, vector<64x1xf32>,
      %eq3A_132 = arith.constant 6 : i32
      %eq3A_133 = vector.broadcast %eq3A_132 : i32 to vector<1x512xi32>
      %eq3A_134 = arith.cmpi eq, %min3A_27, %eq3A_133 : vector<1x512xi32>
      %convert_element_type3A_135 = arith.extui %eq3A_134 : vector<1x512xi1> to vector<1x512xi32>
      %convert_element_type3A_136 = arith.sitofp %convert_element_type3A_135 : vector<1x512xi32> to vector<1x512xf32>
      %get3A_137 = arith.constant 0 : index
      %get3A_138 = arith.constant 6 : index
      %get3A_139 = vector.load %arg4[%get3A_137, %get3A_138] : memref<64x8xf32, #tpu.memory_space<vmem>>, vector<64x1xf32>
      %mul3A_140 = vector.broadcast %convert_element_type3A_136 : vector<1x512xf32> to vector<64x512xf32>
      %mul3A_141 = arith.mulf %convert_element_type3A_32, %mul3A_140 : vector<64x512xf32>
      %reduce_sum3A_142 = arith.constant dense<0.000000e+00> : vector<64xf32>
      %reduce_sum3A_143 = vector.multi_reduction <add>, %mul3A_141, %reduce_sum3A_142 [1] : vector<64x512xf32> to vector<64xf32>
      %broadcast_in_dim3A_144 = vector.shape_cast %reduce_sum3A_143 : vector<64xf32> to vector<64x1xf32>
      %add3A_145 = arith.addf %get3A_139, %broadcast_in_dim3A_144 : vector<64x1xf32>
      %swap3A_146 = arith.constant 0 : index
      %swap3A_147 = arith.constant 6 : index
      %swap3A_148 = vector.load %arg4[%swap3A_146, %swap3A_147] : memref<64x8xf32, #tpu.memory_space<vmem>>, vector<64x1xf32>
      tpu.vector_store %arg4[%swap3A_146, %swap3A_147], %add3A_145 {strides = array<i32>} : memref<64x8xf32, #tpu.memory_space<vmem>>, vector<64x1xf32>,
      %eq3A_149 = arith.constant 7 : i32
      %eq3A_150 = vector.broadcast %eq3A_149 : i32 to vector<1x512xi32>
      %eq3A_151 = arith.cmpi eq, %min3A_27, %eq3A_150 : vector<1x512xi32>
      %convert_element_type3A_152 = arith.extui %eq3A_151 : vector<1x512xi1> to vector<1x512xi32>
      %convert_element_type3A_153 = arith.sitofp %convert_element_type3A_152 : vector<1x512xi32> to vector<1x512xf32>
      %get3A_154 = arith.constant 0 : index
      %get3A_155 = arith.constant 7 : index
      %get3A_156 = vector.load %arg4[%get3A_154, %get3A_155] : memref<64x8xf32, #tpu.memory_space<vmem>>, vector<64x1xf32>
      %mul3A_157 = vector.broadcast %convert_element_type3A_153 : vector<1x512xf32> to vector<64x512xf32>
      %mul3A_158 = arith.mulf %convert_element_type3A_32, %mul3A_157 : vector<64x512xf32>
      %reduce_sum3A_159 = arith.constant dense<0.000000e+00> : vector<64xf32>
      %reduce_sum3A_160 = vector.multi_reduction <add>, %mul3A_158, %reduce_sum3A_159 [1] : vector<64x512xf32> to vector<64xf32>
      %broadcast_in_dim3A_161 = vector.shape_cast %reduce_sum3A_160 : vector<64xf32> to vector<64x1xf32>
      %add3A_162 = arith.addf %get3A_156, %broadcast_in_dim3A_161 : vector<64x1xf32>
      %swap3A_163 = arith.constant 0 : index
      %swap3A_164 = arith.constant 7 : index
      %swap3A_165 = vector.load %arg4[%swap3A_163, %swap3A_164] : memref<64x8xf32, #tpu.memory_space<vmem>>, vector<64x1xf32>
      tpu.vector_store %arg4[%swap3A_163, %swap3A_164], %add3A_162 {strides = array<i32>} : memref<64x8xf32, #tpu.memory_space<vmem>>, vector<64x1xf32>,
    } else {
    }
    return
  }
  func.func @transform_0(%arg0: i32) -> (i32, i32, i32) {
    %min3A = arith.constant 63 : i32
    %min3A_0 = arith.minsi %arg0, %min3A : i32
    %c0_i32 = arith.constant 0 : i32
    %c0_i32_1 = arith.constant 0 : i32
    %c0_i32_2 = arith.constant 0 : i32
    return %min3A_0, %c0_i32, %c0_i32_1 : i32, i32, i32
  }
  func.func @transform_1(%arg0: i32) -> (i32, i32, i32) {
    %min3A = arith.constant 63 : i32
    %min3A_0 = arith.minsi %arg0, %min3A : i32
    %c0_i32 = arith.constant 0 : i32
    %c0_i32_1 = arith.constant 0 : i32
    %c0_i32_2 = arith.constant 0 : i32
    return %min3A_0, %c0_i32, %c0_i32_1 : i32, i32, i32
  }
  func.func @transform_2(%arg0: i32) -> (i32, i32, i32) {
    %c0_i32 = arith.constant 0 : i32
    %c0_i32_0 = arith.constant 0 : i32
    %c0_i32_1 = arith.constant 0 : i32
    return %arg0, %c0_i32, %c0_i32_0 : i32, i32, i32
  }
}

module attributes {stable_mosaic.version = 14 : i64} {
  func.func @_stage_b2_body(%arg0: i32, %arg1: memref<1x1x512xi32, #tpu.memory_space<vmem>>, %arg2: memref<1x1x512xf32, #tpu.memory_space<vmem>>, %arg3: memref<1x64x8xf32, #tpu.memory_space<vmem>>, %arg4: memref<1x64x8xf32, #tpu.memory_space<vmem>>, %arg5: memref<1x1x512xi32, #tpu.memory_space<vmem>>) attributes {dimension_semantics = [#tpu.dimension_semantics<arbitrary>], iteration_bounds = array<i64: 64>, scalar_prefetch = 0 : i64, scratch_operands = 0 : i64, tpu.core_type = #tpu.core_type<tc>, window_params = [{transform_indices = @transform_0, window_bounds = array<i64: 1, 1, 512>}, {transform_indices = @transform_1, window_bounds = array<i64: 1, 1, 512>}, {transform_indices = @transform_2, window_bounds = array<i64: 1, 64, 8>}, {transform_indices = @transform_3, window_bounds = array<i64: 1, 64, 8>}, {transform_indices = @transform_4, window_bounds = array<i64: 1, 1, 512>}]} {
    %get3A = arith.constant 0 : index
    %get3A_0 = arith.constant 0 : index
    %get3A_1 = arith.constant 0 : index
    %get3A_2 = vector.load %arg1[%get3A, %get3A_0, %get3A_1] : memref<1x1x512xi32, #tpu.memory_space<vmem>>, vector<1x1x512xi32>
    %reshape3A = vector.shape_cast %get3A_2 : vector<1x1x512xi32> to vector<1x512xi32>
    %get3A_3 = arith.constant 0 : index
    %get3A_4 = arith.constant 0 : index
    %get3A_5 = arith.constant 0 : index
    %get3A_6 = vector.load %arg2[%get3A_3, %get3A_4, %get3A_5] : memref<1x1x512xf32, #tpu.memory_space<vmem>>, vector<1x1x512xf32>
    %reshape3A_7 = vector.shape_cast %get3A_6 : vector<1x1x512xf32> to vector<1x512xf32>
    %bitcast_convert_type3A = tpu.bitcast %reshape3A_7 : vector<1x512xf32> -> vector<1x512xi32>
    %sub3A = arith.constant 1065353216 : i32
    %sub3A_8 = vector.broadcast %sub3A : i32 to vector<1x512xi32>
    %sub3A_9 = arith.subi %sub3A_8, %bitcast_convert_type3A : vector<1x512xi32>
    %add3A = arith.constant 1 : i32
    %add3A_10 = vector.broadcast %add3A : i32 to vector<1x512xi32>
    %add3A_11 = arith.addi %sub3A_9, %add3A_10 : vector<1x512xi32>
    %jit3A = arith.constant 0 : i32
    %jit3A_12 = arith.constant 7 : i32
    %max3A = vector.broadcast %jit3A : i32 to vector<1x512xi32>
    %max3A_13 = arith.maxsi %max3A, %add3A_11 : vector<1x512xi32>
    %min3A = vector.broadcast %jit3A_12 : i32 to vector<1x512xi32>
    %min3A_14 = arith.minsi %min3A, %max3A_13 : vector<1x512xi32>
    %iota3A = tpu.iota {dimensions = array<i32: 0>} : vector<64x1xi32>
    %eq3A = vector.broadcast %reshape3A : vector<1x512xi32> to vector<64x512xi32>
    %eq3A_15 = vector.broadcast %iota3A : vector<64x1xi32> to vector<64x512xi32>
    %eq3A_16 = arith.cmpi eq, %eq3A, %eq3A_15 : vector<64x512xi32>
    %convert_element_type3A = arith.extui %eq3A_16 : vector<64x512xi1> to vector<64x512xi32>
    %convert_element_type3A_17 = arith.sitofp %convert_element_type3A : vector<64x512xi32> to vector<64x512xf32>
    %iota3A_18 = tpu.iota {dimensions = array<i32: 0>} : vector<512x512xi32>
    %iota3A_19 = tpu.iota {dimensions = array<i32: 1>} : vector<512x512xi32>
    %lt3A = arith.cmpi slt, %iota3A_18, %iota3A_19 : vector<512x512xi32>
    %convert_element_type3A_20 = arith.extui %lt3A : vector<512x512xi1> to vector<512x512xi32>
    %convert_element_type3A_21 = arith.sitofp %convert_element_type3A_20 : vector<512x512xi32> to vector<512x512xf32>
    %get3A_22 = arith.constant 0 : index
    %get3A_23 = arith.constant 0 : index
    %get3A_24 = arith.constant 0 : index
    %get3A_25 = vector.load %arg3[%get3A_22, %get3A_23, %get3A_24] : memref<1x64x8xf32, #tpu.memory_space<vmem>>, vector<1x64x8xf32>
    %get3A_26 = vector.shape_cast %get3A_25 : vector<1x64x8xf32> to vector<64x8xf32>
    %get3A_27 = arith.constant 0 : index
    %get3A_28 = arith.constant 0 : index
    %get3A_29 = arith.constant 0 : index
    %get3A_30 = vector.load %arg4[%get3A_27, %get3A_28, %get3A_29] : memref<1x64x8xf32, #tpu.memory_space<vmem>>, vector<1x64x8xf32>
    %get3A_31 = vector.shape_cast %get3A_30 : vector<1x64x8xf32> to vector<64x8xf32>
    %broadcast_in_dim3A = arith.constant 0.000000e+00 : f32
    %broadcast_in_dim3A_32 = vector.broadcast %broadcast_in_dim3A : f32 to vector<1x512xf32>
    %broadcast_in_dim3A_33 = arith.constant 0.000000e+00 : f32
    %broadcast_in_dim3A_34 = vector.broadcast %broadcast_in_dim3A_33 : f32 to vector<1x512xf32>
    %broadcast_in_dim3A_35 = arith.constant 0.000000e+00 : f32
    %broadcast_in_dim3A_36 = vector.broadcast %broadcast_in_dim3A_35 : f32 to vector<64x1xf32>
    %slice3A = vector.extract_strided_slice %get3A_26 {offsets = [0, 0], sizes = [64, 1], strides = [1, 1]} : vector<64x8xf32> to vector<64x1xf32>
    %add3A_37 = arith.addf %broadcast_in_dim3A_36, %slice3A : vector<64x1xf32>
    %eq3A_38 = arith.constant 0 : i32
    %eq3A_39 = vector.broadcast %eq3A_38 : i32 to vector<1x512xi32>
    %eq3A_40 = arith.cmpi eq, %min3A_14, %eq3A_39 : vector<1x512xi32>
    %convert_element_type3A_41 = arith.extui %eq3A_40 : vector<1x512xi1> to vector<1x512xi32>
    %convert_element_type3A_42 = arith.sitofp %convert_element_type3A_41 : vector<1x512xi32> to vector<1x512xf32>
    %mul3A = vector.broadcast %add3A_37 : vector<64x1xf32> to vector<64x512xf32>
    %mul3A_43 = arith.mulf %convert_element_type3A_17, %mul3A : vector<64x512xf32>
    %reduce_sum3A = arith.constant dense<0.000000e+00> : vector<512xf32>
    %reduce_sum3A_44 = vector.multi_reduction <add>, %mul3A_43, %reduce_sum3A [0] : vector<64x512xf32> to vector<512xf32>
    %broadcast_in_dim3A_45 = vector.shape_cast %reduce_sum3A_44 : vector<512xf32> to vector<1x512xf32>
    %mul3A_46 = arith.mulf %convert_element_type3A_42, %broadcast_in_dim3A_45 : vector<1x512xf32>
    %add3A_47 = arith.addf %broadcast_in_dim3A_32, %mul3A_46 : vector<1x512xf32>
    %mul3A_48 = vector.broadcast %convert_element_type3A_42 : vector<1x512xf32> to vector<64x512xf32>
    %mul3A_49 = arith.mulf %convert_element_type3A_17, %mul3A_48 : vector<64x512xf32>
    %dot_general3A = arith.constant dense<0.000000e+00> : vector<64x512xf32>
    %dot_general3A_50 = tpu.matmul %mul3A_49, %convert_element_type3A_21, %dot_general3A {dimension_numbers = #tpu.dot_dimension_numbers<[1], [0], [0], [1], [0, 0, 1, 1], [], []>, transpose_lhs_hint = false} : vector<64x512xf32>, vector<512x512xf32>, vector<64x512xf32> -> vector<64x512xf32>
    %mul3A_51 = arith.mulf %mul3A_49, %dot_general3A_50 : vector<64x512xf32>
    %reduce_sum3A_52 = arith.constant dense<0.000000e+00> : vector<512xf32>
    %reduce_sum3A_53 = vector.multi_reduction <add>, %mul3A_51, %reduce_sum3A_52 [0] : vector<64x512xf32> to vector<512xf32>
    %broadcast_in_dim3A_54 = vector.shape_cast %reduce_sum3A_53 : vector<512xf32> to vector<1x512xf32>
    %add3A_55 = arith.addf %broadcast_in_dim3A_34, %broadcast_in_dim3A_54 : vector<1x512xf32>
    %slice3A_56 = vector.extract_strided_slice %get3A_31 {offsets = [0, 0], sizes = [64, 1], strides = [1, 1]} : vector<64x8xf32> to vector<64x1xf32>
    %add3A_57 = arith.addf %broadcast_in_dim3A_36, %slice3A_56 : vector<64x1xf32>
    %slice3A_58 = vector.extract_strided_slice %get3A_26 {offsets = [0, 1], sizes = [64, 1], strides = [1, 1]} : vector<64x8xf32> to vector<64x1xf32>
    %add3A_59 = arith.addf %add3A_57, %slice3A_58 : vector<64x1xf32>
    %eq3A_60 = arith.constant 1 : i32
    %eq3A_61 = vector.broadcast %eq3A_60 : i32 to vector<1x512xi32>
    %eq3A_62 = arith.cmpi eq, %min3A_14, %eq3A_61 : vector<1x512xi32>
    %convert_element_type3A_63 = arith.extui %eq3A_62 : vector<1x512xi1> to vector<1x512xi32>
    %convert_element_type3A_64 = arith.sitofp %convert_element_type3A_63 : vector<1x512xi32> to vector<1x512xf32>
    %mul3A_65 = vector.broadcast %add3A_59 : vector<64x1xf32> to vector<64x512xf32>
    %mul3A_66 = arith.mulf %convert_element_type3A_17, %mul3A_65 : vector<64x512xf32>
    %reduce_sum3A_67 = arith.constant dense<0.000000e+00> : vector<512xf32>
    %reduce_sum3A_68 = vector.multi_reduction <add>, %mul3A_66, %reduce_sum3A_67 [0] : vector<64x512xf32> to vector<512xf32>
    %broadcast_in_dim3A_69 = vector.shape_cast %reduce_sum3A_68 : vector<512xf32> to vector<1x512xf32>
    %mul3A_70 = arith.mulf %convert_element_type3A_64, %broadcast_in_dim3A_69 : vector<1x512xf32>
    %add3A_71 = arith.addf %add3A_47, %mul3A_70 : vector<1x512xf32>
    %mul3A_72 = vector.broadcast %convert_element_type3A_64 : vector<1x512xf32> to vector<64x512xf32>
    %mul3A_73 = arith.mulf %convert_element_type3A_17, %mul3A_72 : vector<64x512xf32>
    %dot_general3A_74 = arith.constant dense<0.000000e+00> : vector<64x512xf32>
    %dot_general3A_75 = tpu.matmul %mul3A_73, %convert_element_type3A_21, %dot_general3A_74 {dimension_numbers = #tpu.dot_dimension_numbers<[1], [0], [0], [1], [0, 0, 1, 1], [], []>, transpose_lhs_hint = false} : vector<64x512xf32>, vector<512x512xf32>, vector<64x512xf32> -> vector<64x512xf32>
    %mul3A_76 = arith.mulf %mul3A_73, %dot_general3A_75 : vector<64x512xf32>
    %reduce_sum3A_77 = arith.constant dense<0.000000e+00> : vector<512xf32>
    %reduce_sum3A_78 = vector.multi_reduction <add>, %mul3A_76, %reduce_sum3A_77 [0] : vector<64x512xf32> to vector<512xf32>
    %broadcast_in_dim3A_79 = vector.shape_cast %reduce_sum3A_78 : vector<512xf32> to vector<1x512xf32>
    %add3A_80 = arith.addf %add3A_55, %broadcast_in_dim3A_79 : vector<1x512xf32>
    %slice3A_81 = vector.extract_strided_slice %get3A_31 {offsets = [0, 1], sizes = [64, 1], strides = [1, 1]} : vector<64x8xf32> to vector<64x1xf32>
    %add3A_82 = arith.addf %add3A_57, %slice3A_81 : vector<64x1xf32>
    %slice3A_83 = vector.extract_strided_slice %get3A_26 {offsets = [0, 2], sizes = [64, 1], strides = [1, 1]} : vector<64x8xf32> to vector<64x1xf32>
    %add3A_84 = arith.addf %add3A_82, %slice3A_83 : vector<64x1xf32>
    %eq3A_85 = arith.constant 2 : i32
    %eq3A_86 = vector.broadcast %eq3A_85 : i32 to vector<1x512xi32>
    %eq3A_87 = arith.cmpi eq, %min3A_14, %eq3A_86 : vector<1x512xi32>
    %convert_element_type3A_88 = arith.extui %eq3A_87 : vector<1x512xi1> to vector<1x512xi32>
    %convert_element_type3A_89 = arith.sitofp %convert_element_type3A_88 : vector<1x512xi32> to vector<1x512xf32>
    %mul3A_90 = vector.broadcast %add3A_84 : vector<64x1xf32> to vector<64x512xf32>
    %mul3A_91 = arith.mulf %convert_element_type3A_17, %mul3A_90 : vector<64x512xf32>
    %reduce_sum3A_92 = arith.constant dense<0.000000e+00> : vector<512xf32>
    %reduce_sum3A_93 = vector.multi_reduction <add>, %mul3A_91, %reduce_sum3A_92 [0] : vector<64x512xf32> to vector<512xf32>
    %broadcast_in_dim3A_94 = vector.shape_cast %reduce_sum3A_93 : vector<512xf32> to vector<1x512xf32>
    %mul3A_95 = arith.mulf %convert_element_type3A_89, %broadcast_in_dim3A_94 : vector<1x512xf32>
    %add3A_96 = arith.addf %add3A_71, %mul3A_95 : vector<1x512xf32>
    %mul3A_97 = vector.broadcast %convert_element_type3A_89 : vector<1x512xf32> to vector<64x512xf32>
    %mul3A_98 = arith.mulf %convert_element_type3A_17, %mul3A_97 : vector<64x512xf32>
    %dot_general3A_99 = arith.constant dense<0.000000e+00> : vector<64x512xf32>
    %dot_general3A_100 = tpu.matmul %mul3A_98, %convert_element_type3A_21, %dot_general3A_99 {dimension_numbers = #tpu.dot_dimension_numbers<[1], [0], [0], [1], [0, 0, 1, 1], [], []>, transpose_lhs_hint = false} : vector<64x512xf32>, vector<512x512xf32>, vector<64x512xf32> -> vector<64x512xf32>
    %mul3A_101 = arith.mulf %mul3A_98, %dot_general3A_100 : vector<64x512xf32>
    %reduce_sum3A_102 = arith.constant dense<0.000000e+00> : vector<512xf32>
    %reduce_sum3A_103 = vector.multi_reduction <add>, %mul3A_101, %reduce_sum3A_102 [0] : vector<64x512xf32> to vector<512xf32>
    %broadcast_in_dim3A_104 = vector.shape_cast %reduce_sum3A_103 : vector<512xf32> to vector<1x512xf32>
    %add3A_105 = arith.addf %add3A_80, %broadcast_in_dim3A_104 : vector<1x512xf32>
    %slice3A_106 = vector.extract_strided_slice %get3A_31 {offsets = [0, 2], sizes = [64, 1], strides = [1, 1]} : vector<64x8xf32> to vector<64x1xf32>
    %add3A_107 = arith.addf %add3A_82, %slice3A_106 : vector<64x1xf32>
    %slice3A_108 = vector.extract_strided_slice %get3A_26 {offsets = [0, 3], sizes = [64, 1], strides = [1, 1]} : vector<64x8xf32> to vector<64x1xf32>
    %add3A_109 = arith.addf %add3A_107, %slice3A_108 : vector<64x1xf32>
    %eq3A_110 = arith.constant 3 : i32
    %eq3A_111 = vector.broadcast %eq3A_110 : i32 to vector<1x512xi32>
    %eq3A_112 = arith.cmpi eq, %min3A_14, %eq3A_111 : vector<1x512xi32>
    %convert_element_type3A_113 = arith.extui %eq3A_112 : vector<1x512xi1> to vector<1x512xi32>
    %convert_element_type3A_114 = arith.sitofp %convert_element_type3A_113 : vector<1x512xi32> to vector<1x512xf32>
    %mul3A_115 = vector.broadcast %add3A_109 : vector<64x1xf32> to vector<64x512xf32>
    %mul3A_116 = arith.mulf %convert_element_type3A_17, %mul3A_115 : vector<64x512xf32>
    %reduce_sum3A_117 = arith.constant dense<0.000000e+00> : vector<512xf32>
    %reduce_sum3A_118 = vector.multi_reduction <add>, %mul3A_116, %reduce_sum3A_117 [0] : vector<64x512xf32> to vector<512xf32>
    %broadcast_in_dim3A_119 = vector.shape_cast %reduce_sum3A_118 : vector<512xf32> to vector<1x512xf32>
    %mul3A_120 = arith.mulf %convert_element_type3A_114, %broadcast_in_dim3A_119 : vector<1x512xf32>
    %add3A_121 = arith.addf %add3A_96, %mul3A_120 : vector<1x512xf32>
    %mul3A_122 = vector.broadcast %convert_element_type3A_114 : vector<1x512xf32> to vector<64x512xf32>
    %mul3A_123 = arith.mulf %convert_element_type3A_17, %mul3A_122 : vector<64x512xf32>
    %dot_general3A_124 = arith.constant dense<0.000000e+00> : vector<64x512xf32>
    %dot_general3A_125 = tpu.matmul %mul3A_123, %convert_element_type3A_21, %dot_general3A_124 {dimension_numbers = #tpu.dot_dimension_numbers<[1], [0], [0], [1], [0, 0, 1, 1], [], []>, transpose_lhs_hint = false} : vector<64x512xf32>, vector<512x512xf32>, vector<64x512xf32> -> vector<64x512xf32>
    %mul3A_126 = arith.mulf %mul3A_123, %dot_general3A_125 : vector<64x512xf32>
    %reduce_sum3A_127 = arith.constant dense<0.000000e+00> : vector<512xf32>
    %reduce_sum3A_128 = vector.multi_reduction <add>, %mul3A_126, %reduce_sum3A_127 [0] : vector<64x512xf32> to vector<512xf32>
    %broadcast_in_dim3A_129 = vector.shape_cast %reduce_sum3A_128 : vector<512xf32> to vector<1x512xf32>
    %add3A_130 = arith.addf %add3A_105, %broadcast_in_dim3A_129 : vector<1x512xf32>
    %slice3A_131 = vector.extract_strided_slice %get3A_31 {offsets = [0, 3], sizes = [64, 1], strides = [1, 1]} : vector<64x8xf32> to vector<64x1xf32>
    %add3A_132 = arith.addf %add3A_107, %slice3A_131 : vector<64x1xf32>
    %slice3A_133 = vector.extract_strided_slice %get3A_26 {offsets = [0, 4], sizes = [64, 1], strides = [1, 1]} : vector<64x8xf32> to vector<64x1xf32>
    %add3A_134 = arith.addf %add3A_132, %slice3A_133 : vector<64x1xf32>
    %eq3A_135 = arith.constant 4 : i32
    %eq3A_136 = vector.broadcast %eq3A_135 : i32 to vector<1x512xi32>
    %eq3A_137 = arith.cmpi eq, %min3A_14, %eq3A_136 : vector<1x512xi32>
    %convert_element_type3A_138 = arith.extui %eq3A_137 : vector<1x512xi1> to vector<1x512xi32>
    %convert_element_type3A_139 = arith.sitofp %convert_element_type3A_138 : vector<1x512xi32> to vector<1x512xf32>
    %mul3A_140 = vector.broadcast %add3A_134 : vector<64x1xf32> to vector<64x512xf32>
    %mul3A_141 = arith.mulf %convert_element_type3A_17, %mul3A_140 : vector<64x512xf32>
    %reduce_sum3A_142 = arith.constant dense<0.000000e+00> : vector<512xf32>
    %reduce_sum3A_143 = vector.multi_reduction <add>, %mul3A_141, %reduce_sum3A_142 [0] : vector<64x512xf32> to vector<512xf32>
    %broadcast_in_dim3A_144 = vector.shape_cast %reduce_sum3A_143 : vector<512xf32> to vector<1x512xf32>
    %mul3A_145 = arith.mulf %convert_element_type3A_139, %broadcast_in_dim3A_144 : vector<1x512xf32>
    %add3A_146 = arith.addf %add3A_121, %mul3A_145 : vector<1x512xf32>
    %mul3A_147 = vector.broadcast %convert_element_type3A_139 : vector<1x512xf32> to vector<64x512xf32>
    %mul3A_148 = arith.mulf %convert_element_type3A_17, %mul3A_147 : vector<64x512xf32>
    %dot_general3A_149 = arith.constant dense<0.000000e+00> : vector<64x512xf32>
    %dot_general3A_150 = tpu.matmul %mul3A_148, %convert_element_type3A_21, %dot_general3A_149 {dimension_numbers = #tpu.dot_dimension_numbers<[1], [0], [0], [1], [0, 0, 1, 1], [], []>, transpose_lhs_hint = false} : vector<64x512xf32>, vector<512x512xf32>, vector<64x512xf32> -> vector<64x512xf32>
    %mul3A_151 = arith.mulf %mul3A_148, %dot_general3A_150 : vector<64x512xf32>
    %reduce_sum3A_152 = arith.constant dense<0.000000e+00> : vector<512xf32>
    %reduce_sum3A_153 = vector.multi_reduction <add>, %mul3A_151, %reduce_sum3A_152 [0] : vector<64x512xf32> to vector<512xf32>
    %broadcast_in_dim3A_154 = vector.shape_cast %reduce_sum3A_153 : vector<512xf32> to vector<1x512xf32>
    %add3A_155 = arith.addf %add3A_130, %broadcast_in_dim3A_154 : vector<1x512xf32>
    %slice3A_156 = vector.extract_strided_slice %get3A_31 {offsets = [0, 4], sizes = [64, 1], strides = [1, 1]} : vector<64x8xf32> to vector<64x1xf32>
    %add3A_157 = arith.addf %add3A_132, %slice3A_156 : vector<64x1xf32>
    %slice3A_158 = vector.extract_strided_slice %get3A_26 {offsets = [0, 5], sizes = [64, 1], strides = [1, 1]} : vector<64x8xf32> to vector<64x1xf32>
    %add3A_159 = arith.addf %add3A_157, %slice3A_158 : vector<64x1xf32>
    %eq3A_160 = arith.constant 5 : i32
    %eq3A_161 = vector.broadcast %eq3A_160 : i32 to vector<1x512xi32>
    %eq3A_162 = arith.cmpi eq, %min3A_14, %eq3A_161 : vector<1x512xi32>
    %convert_element_type3A_163 = arith.extui %eq3A_162 : vector<1x512xi1> to vector<1x512xi32>
    %convert_element_type3A_164 = arith.sitofp %convert_element_type3A_163 : vector<1x512xi32> to vector<1x512xf32>
    %mul3A_165 = vector.broadcast %add3A_159 : vector<64x1xf32> to vector<64x512xf32>
    %mul3A_166 = arith.mulf %convert_element_type3A_17, %mul3A_165 : vector<64x512xf32>
    %reduce_sum3A_167 = arith.constant dense<0.000000e+00> : vector<512xf32>
    %reduce_sum3A_168 = vector.multi_reduction <add>, %mul3A_166, %reduce_sum3A_167 [0] : vector<64x512xf32> to vector<512xf32>
    %broadcast_in_dim3A_169 = vector.shape_cast %reduce_sum3A_168 : vector<512xf32> to vector<1x512xf32>
    %mul3A_170 = arith.mulf %convert_element_type3A_164, %broadcast_in_dim3A_169 : vector<1x512xf32>
    %add3A_171 = arith.addf %add3A_146, %mul3A_170 : vector<1x512xf32>
    %mul3A_172 = vector.broadcast %convert_element_type3A_164 : vector<1x512xf32> to vector<64x512xf32>
    %mul3A_173 = arith.mulf %convert_element_type3A_17, %mul3A_172 : vector<64x512xf32>
    %dot_general3A_174 = arith.constant dense<0.000000e+00> : vector<64x512xf32>
    %dot_general3A_175 = tpu.matmul %mul3A_173, %convert_element_type3A_21, %dot_general3A_174 {dimension_numbers = #tpu.dot_dimension_numbers<[1], [0], [0], [1], [0, 0, 1, 1], [], []>, transpose_lhs_hint = false} : vector<64x512xf32>, vector<512x512xf32>, vector<64x512xf32> -> vector<64x512xf32>
    %mul3A_176 = arith.mulf %mul3A_173, %dot_general3A_175 : vector<64x512xf32>
    %reduce_sum3A_177 = arith.constant dense<0.000000e+00> : vector<512xf32>
    %reduce_sum3A_178 = vector.multi_reduction <add>, %mul3A_176, %reduce_sum3A_177 [0] : vector<64x512xf32> to vector<512xf32>
    %broadcast_in_dim3A_179 = vector.shape_cast %reduce_sum3A_178 : vector<512xf32> to vector<1x512xf32>
    %add3A_180 = arith.addf %add3A_155, %broadcast_in_dim3A_179 : vector<1x512xf32>
    %slice3A_181 = vector.extract_strided_slice %get3A_31 {offsets = [0, 5], sizes = [64, 1], strides = [1, 1]} : vector<64x8xf32> to vector<64x1xf32>
    %add3A_182 = arith.addf %add3A_157, %slice3A_181 : vector<64x1xf32>
    %slice3A_183 = vector.extract_strided_slice %get3A_26 {offsets = [0, 6], sizes = [64, 1], strides = [1, 1]} : vector<64x8xf32> to vector<64x1xf32>
    %add3A_184 = arith.addf %add3A_182, %slice3A_183 : vector<64x1xf32>
    %eq3A_185 = arith.constant 6 : i32
    %eq3A_186 = vector.broadcast %eq3A_185 : i32 to vector<1x512xi32>
    %eq3A_187 = arith.cmpi eq, %min3A_14, %eq3A_186 : vector<1x512xi32>
    %convert_element_type3A_188 = arith.extui %eq3A_187 : vector<1x512xi1> to vector<1x512xi32>
    %convert_element_type3A_189 = arith.sitofp %convert_element_type3A_188 : vector<1x512xi32> to vector<1x512xf32>
    %mul3A_190 = vector.broadcast %add3A_184 : vector<64x1xf32> to vector<64x512xf32>
    %mul3A_191 = arith.mulf %convert_element_type3A_17, %mul3A_190 : vector<64x512xf32>
    %reduce_sum3A_192 = arith.constant dense<0.000000e+00> : vector<512xf32>
    %reduce_sum3A_193 = vector.multi_reduction <add>, %mul3A_191, %reduce_sum3A_192 [0] : vector<64x512xf32> to vector<512xf32>
    %broadcast_in_dim3A_194 = vector.shape_cast %reduce_sum3A_193 : vector<512xf32> to vector<1x512xf32>
    %mul3A_195 = arith.mulf %convert_element_type3A_189, %broadcast_in_dim3A_194 : vector<1x512xf32>
    %add3A_196 = arith.addf %add3A_171, %mul3A_195 : vector<1x512xf32>
    %mul3A_197 = vector.broadcast %convert_element_type3A_189 : vector<1x512xf32> to vector<64x512xf32>
    %mul3A_198 = arith.mulf %convert_element_type3A_17, %mul3A_197 : vector<64x512xf32>
    %dot_general3A_199 = arith.constant dense<0.000000e+00> : vector<64x512xf32>
    %dot_general3A_200 = tpu.matmul %mul3A_198, %convert_element_type3A_21, %dot_general3A_199 {dimension_numbers = #tpu.dot_dimension_numbers<[1], [0], [0], [1], [0, 0, 1, 1], [], []>, transpose_lhs_hint = false} : vector<64x512xf32>, vector<512x512xf32>, vector<64x512xf32> -> vector<64x512xf32>
    %mul3A_201 = arith.mulf %mul3A_198, %dot_general3A_200 : vector<64x512xf32>
    %reduce_sum3A_202 = arith.constant dense<0.000000e+00> : vector<512xf32>
    %reduce_sum3A_203 = vector.multi_reduction <add>, %mul3A_201, %reduce_sum3A_202 [0] : vector<64x512xf32> to vector<512xf32>
    %broadcast_in_dim3A_204 = vector.shape_cast %reduce_sum3A_203 : vector<512xf32> to vector<1x512xf32>
    %add3A_205 = arith.addf %add3A_180, %broadcast_in_dim3A_204 : vector<1x512xf32>
    %slice3A_206 = vector.extract_strided_slice %get3A_31 {offsets = [0, 6], sizes = [64, 1], strides = [1, 1]} : vector<64x8xf32> to vector<64x1xf32>
    %add3A_207 = arith.addf %add3A_182, %slice3A_206 : vector<64x1xf32>
    %slice3A_208 = vector.extract_strided_slice %get3A_26 {offsets = [0, 7], sizes = [64, 1], strides = [1, 1]} : vector<64x8xf32> to vector<64x1xf32>
    %add3A_209 = arith.addf %add3A_207, %slice3A_208 : vector<64x1xf32>
    %eq3A_210 = arith.constant 7 : i32
    %eq3A_211 = vector.broadcast %eq3A_210 : i32 to vector<1x512xi32>
    %eq3A_212 = arith.cmpi eq, %min3A_14, %eq3A_211 : vector<1x512xi32>
    %convert_element_type3A_213 = arith.extui %eq3A_212 : vector<1x512xi1> to vector<1x512xi32>
    %convert_element_type3A_214 = arith.sitofp %convert_element_type3A_213 : vector<1x512xi32> to vector<1x512xf32>
    %mul3A_215 = vector.broadcast %add3A_209 : vector<64x1xf32> to vector<64x512xf32>
    %mul3A_216 = arith.mulf %convert_element_type3A_17, %mul3A_215 : vector<64x512xf32>
    %reduce_sum3A_217 = arith.constant dense<0.000000e+00> : vector<512xf32>
    %reduce_sum3A_218 = vector.multi_reduction <add>, %mul3A_216, %reduce_sum3A_217 [0] : vector<64x512xf32> to vector<512xf32>
    %broadcast_in_dim3A_219 = vector.shape_cast %reduce_sum3A_218 : vector<512xf32> to vector<1x512xf32>
    %mul3A_220 = arith.mulf %convert_element_type3A_214, %broadcast_in_dim3A_219 : vector<1x512xf32>
    %add3A_221 = arith.addf %add3A_196, %mul3A_220 : vector<1x512xf32>
    %mul3A_222 = vector.broadcast %convert_element_type3A_214 : vector<1x512xf32> to vector<64x512xf32>
    %mul3A_223 = arith.mulf %convert_element_type3A_17, %mul3A_222 : vector<64x512xf32>
    %dot_general3A_224 = arith.constant dense<0.000000e+00> : vector<64x512xf32>
    %dot_general3A_225 = tpu.matmul %mul3A_223, %convert_element_type3A_21, %dot_general3A_224 {dimension_numbers = #tpu.dot_dimension_numbers<[1], [0], [0], [1], [0, 0, 1, 1], [], []>, transpose_lhs_hint = false} : vector<64x512xf32>, vector<512x512xf32>, vector<64x512xf32> -> vector<64x512xf32>
    %mul3A_226 = arith.mulf %mul3A_223, %dot_general3A_225 : vector<64x512xf32>
    %reduce_sum3A_227 = arith.constant dense<0.000000e+00> : vector<512xf32>
    %reduce_sum3A_228 = vector.multi_reduction <add>, %mul3A_226, %reduce_sum3A_227 [0] : vector<64x512xf32> to vector<512xf32>
    %broadcast_in_dim3A_229 = vector.shape_cast %reduce_sum3A_228 : vector<512xf32> to vector<1x512xf32>
    %add3A_230 = arith.addf %add3A_205, %broadcast_in_dim3A_229 : vector<1x512xf32>
    %add3A_231 = arith.addf %add3A_221, %add3A_230 : vector<1x512xf32>
    %lt3A_232 = arith.constant 5.120000e+02 : f32
    %lt3A_233 = vector.broadcast %lt3A_232 : f32 to vector<1x512xf32>
    %lt3A_234 = arith.cmpf olt, %add3A_231, %lt3A_233 : vector<1x512xf32>
    %convert_element_type3A_235 = arith.sitofp %reshape3A : vector<1x512xi32> to vector<1x512xf32>
    %mul3A_236 = arith.constant 5.120000e+02 : f32
    %mul3A_237 = vector.broadcast %mul3A_236 : f32 to vector<1x512xf32>
    %mul3A_238 = arith.mulf %convert_element_type3A_235, %mul3A_237 : vector<1x512xf32>
    %add3A_239 = arith.addf %mul3A_238, %add3A_231 : vector<1x512xf32>
    %jit3A_240 = arith.constant 3.276800e+04 : f32
    %broadcast_in_dim3A_241 = vector.broadcast %jit3A_240 : f32 to vector<1x512xf32>
    %select_n3A = arith.select %lt3A_234, %add3A_239, %broadcast_in_dim3A_241 : vector<1x512xi1>, vector<1x512xf32>
    %convert_element_type3A_242 = arith.fptosi %select_n3A : vector<1x512xf32> to vector<1x512xi32>
    %reshape3A_243 = vector.shape_cast %convert_element_type3A_242 : vector<1x512xi32> to vector<1x1x512xi32>
    %swap3A = arith.constant 0 : index
    %swap3A_244 = arith.constant 0 : index
    %swap3A_245 = arith.constant 0 : index
    %swap3A_246 = vector.load %arg5[%swap3A, %swap3A_244, %swap3A_245] : memref<1x1x512xi32, #tpu.memory_space<vmem>>, vector<1x1x512xi32>
    tpu.vector_store %arg5[%swap3A, %swap3A_244, %swap3A_245], %reshape3A_243 {strides = array<i32>} : memref<1x1x512xi32, #tpu.memory_space<vmem>>, vector<1x1x512xi32>,
    return
  }
  func.func @transform_0(%arg0: i32) -> (i32, i32, i32) {
    %c0_i32 = arith.constant 0 : i32
    %c0_i32_0 = arith.constant 0 : i32
    %c0_i32_1 = arith.constant 0 : i32
    return %arg0, %c0_i32, %c0_i32_0 : i32, i32, i32
  }
  func.func @transform_1(%arg0: i32) -> (i32, i32, i32) {
    %c0_i32 = arith.constant 0 : i32
    %c0_i32_0 = arith.constant 0 : i32
    %c0_i32_1 = arith.constant 0 : i32
    return %arg0, %c0_i32, %c0_i32_0 : i32, i32, i32
  }
  func.func @transform_2(%arg0: i32) -> (i32, i32, i32) {
    %c0_i32 = arith.constant 0 : i32
    %c0_i32_0 = arith.constant 0 : i32
    %c0_i32_1 = arith.constant 0 : i32
    return %arg0, %c0_i32, %c0_i32_0 : i32, i32, i32
  }
  func.func @transform_3(%arg0: i32) -> (i32, i32, i32) {
    %c64_i32 = arith.constant 64 : i32
    %c0_i32 = arith.constant 0 : i32
    %c0_i32_0 = arith.constant 0 : i32
    %c0_i32_1 = arith.constant 0 : i32
    return %c64_i32, %c0_i32, %c0_i32_0 : i32, i32, i32
  }
  func.func @transform_4(%arg0: i32) -> (i32, i32, i32) {
    %c0_i32 = arith.constant 0 : i32
    %c0_i32_0 = arith.constant 0 : i32
    %c0_i32_1 = arith.constant 0 : i32
    return %arg0, %c0_i32, %c0_i32_0 : i32, i32, i32
  }
}

module attributes {stable_mosaic.version = 14 : i64} {
  func.func @_stage_d_body(%arg0: i32, %arg1: memref<67584x768xf32, #tpu.memory_space<any>>, %arg2: memref<512x768xf32, #tpu.memory_space<vmem>>, %arg3: memref<1x768x64xf32, #tpu.memory_space<vmem>>, %arg4: memref<1x1x64xf32, #tpu.memory_space<vmem>>, %arg5: memref<1x64x768xf32, #tpu.memory_space<vmem>>, %arg6: memref<1x1x768xf32, #tpu.memory_space<vmem>>, %arg7: memref<512x768xf32, #tpu.memory_space<vmem>>) attributes {dimension_semantics = [#tpu.dimension_semantics<arbitrary>], iteration_bounds = array<i64: 64>, scalar_prefetch = 0 : i64, scratch_operands = 0 : i64, tpu.core_type = #tpu.core_type<tc>, window_params = [{}, {transform_indices = @transform_1, window_bounds = array<i64: 512, 768>}, {transform_indices = @transform_2, window_bounds = array<i64: 1, 768, 64>}, {transform_indices = @transform_3, window_bounds = array<i64: 1, 1, 64>}, {transform_indices = @transform_4, window_bounds = array<i64: 1, 64, 768>}, {transform_indices = @transform_5, window_bounds = array<i64: 1, 1, 768>}, {transform_indices = @transform_6, window_bounds = array<i64: 512, 768>}]} {
    %get3A = arith.constant 0 : index
    %get3A_0 = arith.constant 0 : index
    %get3A_1 = vector.load %arg2[%get3A, %get3A_0] : memref<512x768xf32, #tpu.memory_space<vmem>>, vector<512x768xf32>
    %convert_element_type3A = arith.truncf %get3A_1 : vector<512x768xf32> to vector<512x768xbf16>
    %get3A_2 = arith.constant 0 : index
    %get3A_3 = arith.constant 0 : index
    %get3A_4 = arith.constant 0 : index
    %get3A_5 = vector.load %arg3[%get3A_2, %get3A_3, %get3A_4] : memref<1x768x64xf32, #tpu.memory_space<vmem>>, vector<1x768x64xf32>
    %get3A_6 = vector.shape_cast %get3A_5 : vector<1x768x64xf32> to vector<768x64xf32>
    %convert_element_type3A_7 = arith.truncf %get3A_6 : vector<768x64xf32> to vector<768x64xbf16>
    %dot_general3A = arith.constant dense<0.000000e+00> : vector<512x64xf32>
    %dot_general3A_8 = tpu.matmul %convert_element_type3A, %convert_element_type3A_7, %dot_general3A {dimension_numbers = #tpu.dot_dimension_numbers<[1], [0], [0], [1], [0, 0, 1, 1], [], []>, transpose_lhs_hint = false} : vector<512x768xbf16>, vector<768x64xbf16>, vector<512x64xf32> -> vector<512x64xf32>
    %get3A_9 = arith.constant 0 : index
    %get3A_10 = arith.constant 0 : index
    %get3A_11 = arith.constant 0 : index
    %get3A_12 = vector.load %arg4[%get3A_9, %get3A_10, %get3A_11] : memref<1x1x64xf32, #tpu.memory_space<vmem>>, vector<1x1x64xf32>
    %get3A_13 = vector.shape_cast %get3A_12 : vector<1x1x64xf32> to vector<1x64xf32>
    %add3A = vector.broadcast %get3A_13 : vector<1x64xf32> to vector<512x64xf32>
    %add3A_14 = arith.addf %dot_general3A_8, %add3A : vector<512x64xf32>
    %integer_pow3A = arith.mulf %add3A_14, %add3A_14 : vector<512x64xf32>
    %integer_pow3A_15 = arith.mulf %add3A_14, %integer_pow3A : vector<512x64xf32>
    %mul3A = arith.constant 4.471500e-02 : f32
    %mul3A_16 = vector.broadcast %mul3A : f32 to vector<512x64xf32>
    %mul3A_17 = arith.mulf %mul3A_16, %integer_pow3A_15 : vector<512x64xf32>
    %add3A_18 = arith.addf %add3A_14, %mul3A_17 : vector<512x64xf32>
    %mul3A_19 = arith.constant 0.797884583 : f32
    %mul3A_20 = vector.broadcast %mul3A_19 : f32 to vector<512x64xf32>
    %mul3A_21 = arith.mulf %mul3A_20, %add3A_18 : vector<512x64xf32>
    %tanh3A = math.tanh %mul3A_21 : vector<512x64xf32>
    %add3A_22 = arith.constant 1.000000e+00 : f32
    %add3A_23 = vector.broadcast %add3A_22 : f32 to vector<512x64xf32>
    %add3A_24 = arith.addf %add3A_23, %tanh3A : vector<512x64xf32>
    %mul3A_25 = arith.constant 5.000000e-01 : f32
    %mul3A_26 = vector.broadcast %mul3A_25 : f32 to vector<512x64xf32>
    %mul3A_27 = arith.mulf %mul3A_26, %add3A_24 : vector<512x64xf32>
    %mul3A_28 = arith.mulf %add3A_14, %mul3A_27 : vector<512x64xf32>
    %convert_element_type3A_29 = arith.truncf %mul3A_28 : vector<512x64xf32> to vector<512x64xbf16>
    %get3A_30 = arith.constant 0 : index
    %get3A_31 = arith.constant 0 : index
    %get3A_32 = arith.constant 0 : index
    %get3A_33 = vector.load %arg5[%get3A_30, %get3A_31, %get3A_32] : memref<1x64x768xf32, #tpu.memory_space<vmem>>, vector<1x64x768xf32>
    %get3A_34 = vector.shape_cast %get3A_33 : vector<1x64x768xf32> to vector<64x768xf32>
    %convert_element_type3A_35 = arith.truncf %get3A_34 : vector<64x768xf32> to vector<64x768xbf16>
    %dot_general3A_36 = arith.constant dense<0.000000e+00> : vector<512x768xf32>
    %dot_general3A_37 = tpu.matmul %convert_element_type3A_29, %convert_element_type3A_35, %dot_general3A_36 {dimension_numbers = #tpu.dot_dimension_numbers<[1], [0], [0], [1], [0, 0, 1, 1], [], []>, transpose_lhs_hint = false} : vector<512x64xbf16>, vector<64x768xbf16>, vector<512x768xf32> -> vector<512x768xf32>
    %get3A_38 = arith.constant 0 : index
    %get3A_39 = arith.constant 0 : index
    %get3A_40 = arith.constant 0 : index
    %get3A_41 = vector.load %arg6[%get3A_38, %get3A_39, %get3A_40] : memref<1x1x768xf32, #tpu.memory_space<vmem>>, vector<1x1x768xf32>
    %get3A_42 = vector.shape_cast %get3A_41 : vector<1x1x768xf32> to vector<1x768xf32>
    %add3A_43 = vector.broadcast %get3A_42 : vector<1x768xf32> to vector<512x768xf32>
    %add3A_44 = arith.addf %dot_general3A_37, %add3A_43 : vector<512x768xf32>
    %swap3A = arith.constant 0 : index
    %swap3A_45 = arith.constant 0 : index
    %swap3A_46 = vector.load %arg7[%swap3A, %swap3A_45] : memref<512x768xf32, #tpu.memory_space<vmem>>, vector<512x768xf32>
    tpu.vector_store %arg7[%swap3A, %swap3A_45], %add3A_44 {strides = array<i32>} : memref<512x768xf32, #tpu.memory_space<vmem>>, vector<512x768xf32>,
    return
  }
  func.func @transform_1(%arg0: i32) -> (i32, i32) {
    %c0_i32 = arith.constant 0 : i32
    %c0_i32_0 = arith.constant 0 : i32
    return %arg0, %c0_i32 : i32, i32
  }
  func.func @transform_2(%arg0: i32) -> (i32, i32, i32) {
    %c0_i32 = arith.constant 0 : i32
    %c0_i32_0 = arith.constant 0 : i32
    %c0_i32_1 = arith.constant 0 : i32
    return %arg0, %c0_i32, %c0_i32_0 : i32, i32, i32
  }
  func.func @transform_3(%arg0: i32) -> (i32, i32, i32) {
    %c0_i32 = arith.constant 0 : i32
    %c0_i32_0 = arith.constant 0 : i32
    %c0_i32_1 = arith.constant 0 : i32
    return %arg0, %c0_i32, %c0_i32_0 : i32, i32, i32
  }
  func.func @transform_4(%arg0: i32) -> (i32, i32, i32) {
    %c0_i32 = arith.constant 0 : i32
    %c0_i32_0 = arith.constant 0 : i32
    %c0_i32_1 = arith.constant 0 : i32
    return %arg0, %c0_i32, %c0_i32_0 : i32, i32, i32
  }
  func.func @transform_5(%arg0: i32) -> (i32, i32, i32) {
    %c0_i32 = arith.constant 0 : i32
    %c0_i32_0 = arith.constant 0 : i32
    %c0_i32_1 = arith.constant 0 : i32
    return %arg0, %c0_i32, %c0_i32_0 : i32, i32, i32
  }
  func.func @transform_6(%arg0: i32) -> (i32, i32) {
    %c0_i32 = arith.constant 0 : i32
    %c0_i32_0 = arith.constant 0 : i32
    return %arg0, %c0_i32 : i32, i32
  }
}

</mosaic_0001>

<sc_bundles>
// kernel: gather_offload_async_start
scs
__scs_entry_jumppad:
0x0: {  	(pc) =	sbr.rel $0x88, $3  }
0x1: {  	(tag) =	ssettag $0x0;
	lr =	simm.s32 $0x1  }
0x2: {  	[smem:$0x3F98] =	sst lr;
	_ =	strace $0xD0000000  }
0x3: {  	_ = 	snop  }
0x4: {  	_ = 	snop  }
0x5: {  	_ = 	snop  }
0x6: {  	_ = 	snop  }
0x7: {  	_ = 	snop  }
__scs_overlays_trampoline_lowered:
0x8: {  	[smem:$0x3FA7] =	sst s0  }
0x9: {  	[smem:$0x3FA8] =	sst s1  }
0xa: {  	[smem:$0x3FA9] =	sst s2  }
0xb: {  	[smem:$0x3FAA] =	sst s3  }
0xc: {  	[smem:$0x3FAB] =	sst s4  }
0xd: {  	[smem:$0x3FAC] =	sst s5  }
0xe: {  	[smem:$0x3FAD] =	sst s6  }
0xf: {  	[smem:$0x3FAE] =	sst s7  }
0x10: {  	[smem:$0x3FAF] =	sst s8  }
0x11: {  	[smem:$0x3FB0] =	sst s9;
	s0 =	simm.s32 @!p0 $0x0  }
0x12: {  	s1 =	sld [smem:$0x3F96];
	s0 =	simm.s32 @p0 $0x1  }
0x13: {  	[smem:$0x3FB1] =	sst s0;
	s0 =	simm.s32 @!p1 $0x0  }
0x14: {  	s2 =	sld [smem:$0x3F95];
	s0 =	simm.s32 @p1 $0x1  }
0x15: {  	[smem:$0x3FB2] =	sst s0;
	s0 =	simm.s32 @!p2 $0x0  }
0x16: {  	s3 =	sld [smem:$0x3FDB];
	s0 =	simm.s32 @p2 $0x1  }
0x17: {  	s4 =	simm.s32 $0x1BF5;
	[smem:$0x3FB4] =	sst s0  }
0x18: {  	s0 =	sld [smem:$0x3F97];
	_ =	swait.ge [sflag:s4], $0x0  }
0x19: {  	s7 =	sld [smem:$0x3F98]  }
0x1a: {  	s8 =	sadd.s32 $0xFFFFE003, lr  }
0x1b: {  	s9 =	sadd.s32 $0xFFFFFEF7, lr;
	s5 =	simm.s32 $0xFFFFFFFF;
	p2 =	slt.u32 s8, $0xFFFFF086  }
0x1c: {  	p1 =	slt.u32 s9, $0xF7A;
	s5 =	simm.s32 @!p2 $0x0  }
0x1d: {  	s5 =	simm.s32 @p1 $0x1;
	p0 =	seq.s32 s7, s2  }
0x1e: {  	s7 =	smul.u32 @!p0 $0xF7A, s2;
	p2 =	seq.s32 @!p0 s5, $0x0  }
0x1f: {  	s9 =	smul.u32 $0xF7A, s1;
	s8 =	simm.s32 @!p0 $0x1BF5;
	p2 =	por !p2, p0  }
0x20: {  	[sflag:s8] =	ssyncset.s32 @!p0 $0xFFFFF086;
	s6 =	sadd.s32 @!p0 s3, s7;
	s7 =	simm.s32 @!p0 $0x108  }
0x21: {  	s3 =	sadd.s32 s3, s9;
	s6 =	sadd.s32 @!p0 $0x88, s6;
	s7 =	simm.s32 @p2 $0x1082  }
0x22: {  	[simem:s7], [sflag:s8] =	dma.local @!p0 [hbm:s6], $0xF7A  }
0x23: {  	s9 =	sor.u32 $0xD0000000, s2;
	s6 =	simm.s32 $0x108;
	_ =	swait.ge @!p0 [sflag:s8], $0x0  }
0x24: {  	s3 =	sadd.s32 $0x88, s3;
	s6 =	simm.s32 @!p1 $0x1082;
	[sflag:s4] =	ssyncset.s32 $0xFFFFF086  }
0x25: {  	[simem:s6], [sflag:s4] =	dma.local [hbm:s3], $0xF7A  }
0x26: {  	[smem:$0x3F98] =	sst s1;
	(tag) =	ssettag s2;
	_ =	strace s9  }
0x27: {  	s1 =	sld [smem:$0x3FA8]  }
0x28: {  	s2 =	sld [smem:$0x3FA9]  }
0x29: {  	s4 =	sld [smem:$0x3FAB]  }
0x2a: {  	p0 =	seq.s32 s5, $0x0;
	s5 =	sld [smem:$0x3FAC]  }
0x2b: {  	s6 =	sld [smem:$0x3FAD]  }
0x2c: {  	s7 =	sld [smem:$0x3FAE]  }
0x2d: {  	s3 =	simm.s32 $0x108;
	s8 =	sld [smem:$0x3FAF]  }
0x2e: {  	s3 =	simm.s32 @!p0 $0x1082;
	s9 =	sld [smem:$0x3FB0]  }
0x2f: {  	lr =	sadd.s32 s0, s3;
	s0 =	sld [smem:$0x3FA7]  }
0x30: {  	s3 =	sld [smem:$0x3FAA]  }
0x31: {  	[smem:$0x3FB3] =	sst s10  }
0x32: {  	s10 =	sld [smem:$0x3FB1];
	_ =	sdelay $0x3  }
0x33: {  	p0 =	seq.s32 s10, $0x1;
	s10 =	sld [smem:$0x3FB3];
	_ =	sdelay $0x3  }
0x34: {  	[smem:$0x3FB3] =	sst s10  }
0x35: {  	s10 =	sld [smem:$0x3FB2];
	_ =	sdelay $0x3  }
0x36: {  	p1 =	seq.s32 s10, $0x1;
	s10 =	sld [smem:$0x3FB3];
	_ =	sdelay $0x3  }
0x37: {  	[smem:$0x3FB3] =	sst s10  }
0x38: {  	s10 =	sld [smem:$0x3FB4]  }
0x39: {  	_ = 	snop;
	(pc) =	sbr.ind lr, $3  }
0x3a: {  	_ = 	snop  }
0x3b: {  	_ = 	snop  }
0x3c: {  	p2 =	seq.s32 s10, $0x1;
	s10 =	sld [smem:$0x3FB3]  }
0x3d: {  	_ =	shalt  }
0x3e: {  	_ =	shalt  }
0x3f: {  	_ =	shalt  }
0x40: {  	_ =	shalt  }
0x41: {  	_ =	shalt  }
0x42: {  	_ =	shalt  }
0x43: {  	_ =	shalt  }
0x44: {  	_ =	shalt  }
0x45: {  	_ =	shalt  }
0x46: {  	_ =	shalt  }
0x47: {  	_ =	shalt  }
0x48: {  	_ =	shalt  }
0x49: {  	_ =	shalt  }
0x4a: {  	_ =	shalt  }
0x4b: {  	_ =	shalt  }
0x4c: {  	_ =	shalt  }
0x4d: {  	_ =	shalt  }
0x4e: {  	_ =	shalt  }
0x4f: {  	_ =	shalt  }
0x50: {  	_ =	shalt  }
0x51: {  	_ =	shalt  }
0x52: {  	_ =	shalt  }
0x53: {  	_ =	shalt  }
0x54: {  	_ =	shalt  }
0x55: {  	_ =	shalt  }
0x56: {  	_ =	shalt  }
0x57: {  	_ =	shalt  }
0x58: {  	_ =	shalt  }
0x59: {  	_ =	shalt  }
0x5a: {  	_ =	shalt  }
0x5b: {  	_ =	shalt  }
0x5c: {  	_ =	shalt  }
0x5d: {  	_ =	shalt  }
0x5e: {  	_ =	shalt  }
0x5f: {  	_ =	shalt  }
0x60: {  	_ =	shalt  }
0x61: {  	_ =	shalt  }
0x62: {  	_ =	shalt  }
0x63: {  	_ =	shalt  }
0x64: {  	_ =	shalt  }
0x65: {  	_ =	shalt  }
0x66: {  	_ =	shalt  }
0x67: {  	_ =	shalt  }
0x68: {  	_ =	shalt  }
0x69: {  	_ =	shalt  }
0x6a: {  	_ =	shalt  }
0x6b: {  	_ =	shalt  }
0x6c: {  	_ =	shalt  }
0x6d: {  	_ =	shalt  }
0x6e: {  	_ =	shalt  }
0x6f: {  	_ =	shalt  }
0x70: {  	_ =	shalt  }
0x71: {  	_ =	shalt  }
0x72: {  	_ =	shalt  }
0x73: {  	_ =	shalt  }
0x74: {  	_ =	shalt  }
0x75: {  	_ =	shalt  }
0x76: {  	_ =	shalt  }
0x77: {  	_ =	shalt  }
0x78: {  	_ =	shalt  }
0x79: {  	_ =	shalt  }
0x7a: {  	_ =	shalt  }
0x7b: {  	_ =	shalt  }
0x7c: {  	_ =	shalt  }
0x7d: {  	_ =	shalt  }
0x7e: {  	_ =	shalt  }
0x7f: {  	_ =	shalt  }
0x80: {  	_ =	shalt  }
0x81: {  	_ =	shalt  }
0x82: {  	_ =	shalt  }
0x83: {  	_ =	shalt  }
0x84: {  	_ =	shalt  }
0x85: {  	_ =	shalt  }
0x86: {  	_ =	shalt  }
0x87: {  	_ =	shalt  }
.Lfunc_end0:
.L_simem_size_0:
called_computation_lowered:
.L_overlay_start_0:
0x88: {  	s2 =	sld [smem:$0x3FD9]  }
0x89: {  	s3 =	sld [smem:$0x3FFE];
	_ =	sdelay $0x1  }
0x8a: {  	s1 =	srdreg.scid  }
0x8b: {  	s0 =	sand.u32 $0x1, s1  }
0x8c: {  	s14 =	sshll.u32 s0, $0xA;
	s2 =	sadd.s32 s3, s2  }
0x8d: {  	s2 =	sadd.s32 s2, s14  }
0x8e: {  	[smem:$0x3FBF] =	sst s2  }
0x8f: {  	_ = 	snop  }
0x90: {  	s2 =	sld [smem:$0x3FD0];
	_ =	sdelay $0x2  }
0x91: {  	s15 =	simm.s32 $0xA;
	s4 =	simm.s32 $0x10  }
0x92: {  	[smem:s4], [sflag:s15] =	dma.local [hbm:s2], $0x1  }
0x93: {  	_ =	swait.eq [sflag:s15], $0x1  }
0x94: {  	[sflag:s15] =	ssyncset.done $0x0  }
0x95: {  	[sflag:s15] =	ssyncadd.s32 $0xFFFFFFFF  }
0x96: {  	s16 =	sld [smem:$0x10];
	(tm) =	ssettm $0x1  }
0x97: {  	s17 =	sld [smem:$0x3FFB];
	_ =	sdelay $0x3  }
0x98: {  	_ =	strace s17  }
0x99: {  	s3 =	sld [smem:$0x3FFC];
	_ =	sdelay $0x3  }
0x9a: {  	_ =	strace s3  }
0x9b: {  	s3 =	sld [smem:$0x3FFD];
	_ =	sdelay $0x3  }
0x9c: {  	_ =	strace s3  }
0x9d: {  	_ =	strace $0x8FFFFFFF  }
0x9e: {  	s18 =	sld [smem:$0x3FDB];
	_ =	sdelay $0x1  }
0x9f: {  	s19 =	simm.s32 $_scs_section_size  }
0xa0: {  	s5 =	simm.s32 $_size__tile_overlayer_lowered;
	s6 =	simm.s32 $_tile_overlayer_lowered  }
0xa1: {  	s22 =	simm.s32 $0x1BFF;
	s21 =	sshll.u32 s6, $0x1;
	s3 =	sadd.s32 s19, s18  }
0xa2: {  	s7 =	simm.s32 $0x0;
	s20 =	sshll.u32 s5, $0x1;
	s5 =	sadd.s32 s21, s3  }
0xa3: {  	[timem:s7], [sflag:s22] =	dma.local [hbm:s5], s20  }
0xa4: {  	_ =	swait.ge [sflag:s22], s20  }
0xa5: {  	s4 =	ssub.s32 $0x0, s20;
	[sflag:s22] =	ssyncset.done $0x0  }
0xa6: {  	[sflag:s22] =	ssyncadd.s32 s4;
	_ =	sdelay $0x1  }
0xa7: {  	s23 =	simm.s32 $0x1B8B  }
0xa8: {  	_ =	swait.ge [sflag:s23], $0x1  }
0xa9: {  	[sflag:s23] =	ssyncset.done $0x0  }
0xaa: {  	s25 =	simm.s32 $0x1B8E;
	s24 =	sld [smem:$0x3FFE];
	[sflag:s23] =	ssyncadd.s32 $0xFFFFFFFF  }
0xab: {  	s26 =	simm.s32 $execute0_lowered;
	[smem:$0x3FD2] =	sst s25  }
0xac: {  	s5 =	sshll.u32 s26, $0x1;
	_ =	strace $0x80000046;
	[dreg:$0x1] =	wrdreg $0xFFFFFFFF  }
0xad: {  	s28 =	simm.s32 $_size_execute0_lowered;
	s3 =	sadd.s32 s3, s5;
	[dreg:$0x0] =	wrdreg $0x0  }
0xae: {  	s5 =	sshll.u32 s28, $0x1;
	[dreg:$0x2] =	wrdreg s3  }
0xaf: {  	[dreg:$0x3] =	wrdreg s5  }
0xb0: {  	[dreg:$0x4] =	wrdreg $0xC0  }
0xb1: {  	_ =	task [dreg:s7], $0x5FFFF  }
0xb2: {  	[dreg:$0x1] =	wrdreg $0xFFFFFFFF  }
0xb3: {  	[dreg:$0x0] =	wrdreg $0x60  }
0xb4: {  	[dreg:$0x2] =	wrdreg s16  }
0xb5: {  	[dreg:$0x3] =	wrdreg s24  }
0xb6: {  	[dreg:$0x4] =	wrdreg $0x9  }
0xb7: {  	_ =	task.clear_ibuf [dreg:s7], $0x5FFFF;
	_ =	strace $0x90000046  }
0xb8: {  	s29 =	simm.s32 $0x9;
	_ =	strace $0x80000048  }
0xb9: {  	_ =	swait.ge [sflag:s29], $0x1  }
0xba: {  	[sflag:s29] =	ssyncadd.s32 $0xFFFFFFFF  }
0xbb: {  	_ =	strace $0x90000048  }
0xbc: {  	_ =	sfence  }
0xbd: {  	s30 =	sld [smem:$0x0];
	_ =	sdelay $0x2  }
0xbe: {  	s31 =	sshll.u32 s1, $0xD;
	s1 =	sshrl.u32 s1, $0x2  }
0xbf: {  	s3 =	sand.u32 $0x4000, s31;
	s1 =	sadd.s32 s1, s30  }
0xc0: {  	s0 =	sor.u32 s3, s0;
	s1 =	sshll.u32 s1, $0x11  }
0xc1: {  	s0 =	sor.u32 s1, s0  }
0xc2: {  	s0 =	sadd.s32 $0x8F2B, s0  }
0xc3: {  	[sflag:s0] =	ssyncadd.remote.s32 $0x1  }
0xc4: {  	_ =	sfence.sel $0xFFFF  }
0xc5: {  	[dreg:$0x0] =	wrdreg $0xFFFFFFFF;
	(pc) =	sbr.abs _section_cstart, $3  }
0xc6: {  	[dreg:$0x1] =	wrdreg $0xFFFFFFFF  }
0xc7: {  	_ =	task.clear_ibuf [dreg:s7], $0x2FFFF;
	_ =	strace $0x9FFFFFFF  }
0xc8: {  	(tm) =	ssettm $0x7FFFFFFF  }
0xc9: {  	_ =	shalt  }
tec
execute0_lowered:
.L_overlay_start_1:
0x0: {  	(tag) =	ssettag $0x1  }
0x1: {  	s1 =	srdreg.scid;
	s2 =	rddreg [dreg:$0x0]  }
0x2: {  	s0 =	stileid.u32;
	s5 =	rddreg [dreg:$0x1];
	s6 =	simm.s32 $0x1  }
0x3: {  	s9 =	simm.s32 $0x1;
	s10 =	simm.s32 $0x3;
	s1 =	sshll.u32 s1, $0x9  }
0x4: {  	s13 =	simm.s32 $0x0;
	s3 =	sshll.u32 s0, $0xA;
	s4 =	sand.u32 $0x200, s1  }
0x5: {  	s12 =	simm.s32 $0x0;
	s1 =	rddreg [dreg:$0x2];
	s3 =	sor.u32 s3, s4  }
0x6: {  	_ =	strace $0x80000047;
	s4 =	sadd.s32 $0x4E00, s5;
	s8 =	ssub.s32 $0x8000, s3  }
.Ltmp0:
0x7: {  	s5 =	sadd.s32 $0x5E00, s5;
	s7 =	sand.u32 $0x3E00, s8;
	(pc) =	sbr.rel .LBB2_1-.Ltmp0, $4  }
0x8: {  	[sflag:s6] =	ssyncpa.u1 $0x0;
	s11 =	smov.u32 s3;
	p0 =	sne.s32 s7, $0x0  }
0x9: {  	s8 =	sshrl.u32 s8, $0xE;
	s7 =	simm.s32 $0x2;
	s9 =	simm.s32 @!p0 $0x0  }
0xa: {  	[sflag:s7] =	ssyncpa.u1 $0x0;
	p0 =	por $0x0, $0x0;
	s8 =	sadd.s32 s9, s8  }
0xb: {  	vm0 =	vmmov $0xffff;
	[sflag:s10] =	ssyncpa.u1 $0x0;
	s10 =	simm.s32 $0x0;
	s9 =	sadd.s32 $0x1, s8  }
.LBB2_4:
0xc: {  	v5 =	vshrl.u32 v1, $0xF;
	v6 =	vshll.u32 v1, $0x7  }
0xd: {  	vm1 =	veq.s32 v1, $0x80000000;
	v58 =	vand.u32 $0x3F, v5;
	v59 =	vand.u32 $0x3FFF80, v6  }
0xe: {  	v1 =	vsel vm1, $0xFFFFFFFF, v58;
	v5 =	vsel vm1, $0xFFFFFF80, v59  }
0xf: {  	v3 =	vor.u32 v4, v3;
	v60 =	vand.u32 $0xFFFFFC00, v5;
	v61 =	vand.u32 $0xFFFFFC00, v1  }
0x10: {  	v2 =	vor.u32 v2, v3;
	v63 =	vand.u32 $0x380, v5;
	v62 =	vadd.s32 v61, v60  }
0x11: {  	v1 =	vand.u32 $0x7F, v1;
	v3 =	vor.u32 v63, v62  }
0x12: {  	v1 =	vor.u32 v1, v3  }
0x13: {  	[tilespmem:s15], [sflag:$0x1] =	stream.indirect_vreg.gather [hbm4b:s2+s10], $0x1, v0, vm0, $0x4038;
	[tilespmem:$0x800] =	vst v63  }
0x14: {  	(ifvalue) =	ssetifvalue $0x7FFFFFFF  }
0x15: {  	[tilespmem:s16], [sflag:$0x1] =	stream.indirect_vreg.gather [hbm4b:s2+s10], $0x1, v2, vm0, $0x4038;
	[tilespmem:$0x800] =	vst v63  }
0x16: {  	s29 =	sadd.s32 $0x10, s16;
	(ifvalue) =	ssetifvalue $0x7FFFFFFF  }
0x17: {  	[tilespmem:s29], [sflag:$0x1] =	stream.indirect_vreg.gather [hbm4b:s2+s10], $0x1, v1, vm0, $0x4038;
	[tilespmem:$0x800] =	vst v63  }
0x18: {  	_ =	swait.ge [sflag:s6], $0x200  }
0x19: {  	s30 =	sshrl.u32 s13, $0x3;
	[sflag:s6] =	ssyncset.done $0x0  }
0x1a: {  	s31 =	sand.u32 $0x7, s13;
	s15 =	sadd.s32 s5, s30;
	[sflag:s6] =	ssyncadd.s32 $0xFFFFFE00  }
0x1b: {  	[hbm4b:s15+s31] =	stream.linear.scatter [tilespmem:s14], [sflag:$0x3], $0x200, $0x38;
	[tilespmem:$0x800] =	vst v63  }
.LBB2_5:
0x1c: {  	s15 =	sadd.s32 $0x4000, s11  }
0x1d: {  	p2 =	sgt.s32 s15, $0x7FFF  }
0x1e: {  	s15 =	smov.u32 @p2 s3;
	p2 =	sne.s32 s12, s9  }
.Ltmp1:
0x1f: {  	p1 =	slt.u32 s12, $0x2;
	(pc) =	sbr.rel @!p2 .LBB2_6-.Ltmp1, $4  }
0x20: {  	s14 =	simm.s32 @!p1 $0x3  }
0x21: {  	s16 =	sadd.s32 $0x1, s12;
	_ =	swait.ge @!p1 [sflag:s14], $0x200  }
0x22: {  	s13 =	smov.u32 s11;
	p0 =	por !p0, !p0;
	[sflag:s14] =	ssyncset.done @!p1 $0x0  }
0x23: {  	s12 =	smov.u32 s16;
	s11 =	smov.u32 s15;
	[sflag:s14] =	ssyncadd.s32 @!p1 $0xFFFFFE00  }
.LBB2_1:
0x24: {  	p1 =	sge.u32 s12, s8  }
0x25: {  	s14 =	sxor.u32 @!p1 $0xFFFFFFFF, s12  }
0x26: {  	s31 =	sadd.s32 $0xFFFFFFFF, s12;
	s15 =	sshrl.u32 @!p1 s11, $0x3;
	s14 =	sshll.u32 @!p1 s14, $0x9  }
0x27: {  	s16 =	sand.u32 @!p1 $0x7, s11;
	s15 =	sadd.s32 @!p1 s4, s15;
	s14 =	sand.u32 @!p1 $0x200, s14  }
0x28: {  	[tilespmem:s14], [sflag:$0x2] =	stream.linear.gather @!p1 [hbm4b:s15+s16], $0x200, $0x38;
	[tilespmem:$0x800] =	vst v63  }
0x29: {  	p1 =	sge.u32 s31, s8  }
.Ltmp2:
0x2a: {  	_ = 	snop;
	(pc) =	sbr.rel @p1 .LBB2_5-.Ltmp2, $1  }
0x2b: {  	_ =	sdelay $0x3  }
0x2c: {  	s14 =	simm.s32 $0x1  }
0x2d: {  	_ =	swait.ge [sflag:s7], $0x200;
	s14 =	simm.s32 @!p0 $0x0  }
0x2e: {  	[sflag:s7] =	ssyncset.done $0x0;
	s14 =	sshll.u32 s14, $0x9  }
0x2f: {  	[sflag:s7] =	ssyncadd.s32 $0xFFFFFE00;
	(ifvalue) =	ssetifvalue $0x7FFFFFFF;
	v0 =	vld.msk [tilespmem:s14+$0x0 ss:$0x1], $0xffff;
	_ =	sdelay $0x4  }
0x30: {  	s15 =	sadd.s32 $0x10, s14;
	v2 =	vshrl.u32 v0, $0xF;
	v3 =	vshll.u32 v0, $0x7  }
0x31: {  	v1 =	vld.msk [tilespmem:s15+$0x0 ss:$0x1], $0xffff;
	vm1 =	veq.s32 v0, $0x80000000;
	v0 =	vand.u32 $0x3F, v2;
	v2 =	vand.u32 $0x3FFF80, v3  }
0x32: {  	v0 =	vsel vm1, $0xFFFFFFFF, v0;
	v2 =	vsel vm1, $0xFFFFFF80, v2  }
0x33: {  	v3 =	vand.u32 $0xFFFFFC00, v2;
	v4 =	vand.u32 $0xFFFFFC00, v0  }
0x34: {  	v2 =	vand.u32 $0x380, v2;
	v3 =	vadd.s32 v4, v3  }
0x35: {  	v0 =	vand.u32 $0x7F, v0;
	v2 =	vor.u32 v2, v3  }
0x36: {  	v5 =	vshll.u32 v1, $0x7;
	v4 =	vshrl.u32 v1, $0xF;
	v0 =	vor.u32 v0, v2  }
0x37: {  	s16 =	sshll.u32 s12, $0x9;
	vm1 =	veq.s32 v1, $0x80000000;
	v1 =	vand.u32 $0x3F, v4;
	v4 =	vand.u32 $0x3FFF80, v5  }
0x38: {  	s16 =	sand.u32 $0x200, s16;
	s18 =	sadd.s32 $0x10, s15;
	v3 =	vsel vm1, $0xFFFFFFFF, v1;
	v4 =	vsel vm1, $0xFFFFFF80, v4  }
0x39: {  	s17 =	simm.s32 $0x20;
	s15 =	sor.u32 $0x400, s14;
	s14 =	sor.u32 $0x400, s16;
	v1 =	vld.msk [tilespmem:s18+$0x0 ss:$0x1], $0xffff;
	v5 =	vand.u32 $0xFFFFFC00, v4;
	v6 =	vand.u32 $0xFFFFFC00, v3  }
0x3a: {  	s16 =	sadd.s32 $0x10, s15;
	s18 =	sadd.s32 $0x10, s18;
	(ifvalue) =	ssetifvalue $0x7FFFFFFF;
	v2 =	vand.u32 $0x7F, v3;
	v4 =	vand.u32 $0x380, v4;
	v3 =	vadd.s32 v6, v5  }
.LBB2_3:
0x3b: {  	[tilespmem:s15], [sflag:$0x1] =	stream.indirect_vreg.gather [hbm4b:s2+s10], $0x1, v0, vm0, $0x4038;
	[tilespmem:$0x800] =	vst v63  }
0x3c: {  	s17 =	sadd.s32 $0x10, s17  }
0x3d: {  	v3 =	vor.u32 v4, v3;
	p1 =	slt.u32 s17, $0x1F0  }
.Ltmp3:
0x3e: {  	v4 =	vshrl.u32 v1, $0xF;
	v5 =	vshll.u32 v1, $0x7;
	s15 =	smov.u32 s16;
	v0 =	vor.u32 v2, v3;
	v2 =	vmovc v1;
	v1 =	vld.msk [tilespmem:s18+$0x0 ss:$0x1], $0xffff;
	(pc) =	sbr.rel @p1 .LBB2_3-.Ltmp3, $4  }
0x3f: {  	v3 =	vand.u32 $0x3FFF80, v5;
	vm1 =	veq.s32 v2, $0x80000000;
	v2 =	vand.u32 $0x3F, v4  }
0x40: {  	v4 =	vsel vm1, $0xFFFFFFFF, v2;
	v5 =	vsel vm1, $0xFFFFFF80, v3  }
0x41: {  	v2 =	vand.u32 $0x7F, v4;
	v3 =	vand.u32 $0xFFFFFC00, v5;
	v4 =	vand.u32 $0xFFFFFC00, v4  }
0x42: {  	s16 =	sadd.s32 $0x10, s16;
	s18 =	sadd.s32 $0x10, s18;
	v3 =	vadd.s32 v4, v3;
	v4 =	vand.u32 $0x380, v5;
	(ifvalue) =	ssetifvalue $0x7FFFFFFF  }
.Ltmp4:
0x43: {  	_ = 	snop;
	(pc) =	sbr.rel .LBB2_4-.Ltmp4, $1  }
0x44: {  	_ =	sdelay $0x3  }
.LBB2_6:
0x45: {  	_ =	sfence.sel $0x180000  }
0x46: {  	s2 =	simm.s32 $0x2;
	[bflag:$0x0] =	sbarrier.arrive $0xFFFF  }
0x47: {  	s30 =	simm.s32 $0x3;
	[sflag:s2] =	ssyncpa.u1 $0x1  }
0x48: {  	s31 =	simm.s32 $0x1;
	[sflag:s30] =	ssyncpa.u1 $0x1  }
0x49: {  	[sflag:s31] =	ssyncpa.u1 $0x1  }
0x4a: {  	p0 =	sne.s32 s0, $0x0;
	_ =	strace $0x90000047  }
0x4b: {  	s0 =	sadd.s32 @!p0 $0x100000, s1;
	[bflag:$0x2] =	sbarrier.arrive $0xFFFF  }
0x4c: {  	[sflag:s0] =	ssyncadd.tile.s32 @!p0 $0x1;
	_ =	shalt  }
.Lfunc_end2:
_tile_overlayer_lowered:
.L_overlay_start_2:
0x4d: {  	(tag) =	ssettag $0x2  }
0x4e: {  	s0 =	rddreg [dreg:$0x0];
	s2 =	stileid.u32  }
0x4f: {  	s1 =	rddreg [dreg:$0x1];
	p0 =	sne.s32 s2, $0x0  }
0x50: {  	s3 =	rddreg [dreg:$0x2];
	[bflag:$0x3] =	sbarrier.arrive $0xFFFF;
	s2 =	simm.s32 @!p0 $0x1C01  }
0x51: {  	[timem:s3], [sflag:s2] =	dma.local @!p0 [hbm:s0], s1  }
0x52: {  	s0 =	simm.s32 @!p0 $0x1  }
0x53: {  	_ =	swait.ge @!p0 [sflag:s0], s1  }
0x54: {  	s1 =	ssub.s32 @!p0 $0x0, s1;
	[sflag:s0] =	ssyncset.done @!p0 $0x0  }
0x55: {  	[sflag:s0] =	ssyncadd.s32 @!p0 s1  }
0x56: {  	[bflag:$0x3] =	sbarrier.arrive $0xFFFF  }
0x57: {  	_ =	shalt  }

// kernel: kernel.11.cloned.1.call-start
scs
__scs_entry_jumppad:
0x0: {  	(pc) =	sbr.rel $0x88, $3  }
0x1: {  	(tag) =	ssettag $0x0;
	lr =	simm.s32 $0x1  }
0x2: {  	[smem:$0x3F98] =	sst lr;
	_ =	strace $0xD0000000  }
0x3: {  	_ = 	snop  }
0x4: {  	_ = 	snop  }
0x5: {  	_ = 	snop  }
0x6: {  	_ = 	snop  }
0x7: {  	_ = 	snop  }
__scs_overlays_trampoline_lowered:
0x8: {  	[smem:$0x3FA7] =	sst s0  }
0x9: {  	[smem:$0x3FA8] =	sst s1  }
0xa: {  	[smem:$0x3FA9] =	sst s2  }
0xb: {  	[smem:$0x3FAA] =	sst s3  }
0xc: {  	[smem:$0x3FAB] =	sst s4  }
0xd: {  	[smem:$0x3FAC] =	sst s5  }
0xe: {  	[smem:$0x3FAD] =	sst s6  }
0xf: {  	[smem:$0x3FAE] =	sst s7  }
0x10: {  	[smem:$0x3FAF] =	sst s8  }
0x11: {  	[smem:$0x3FB0] =	sst s9;
	s0 =	simm.s32 @!p0 $0x0  }
0x12: {  	s1 =	sld [smem:$0x3F96];
	s0 =	simm.s32 @p0 $0x1  }
0x13: {  	[smem:$0x3FB1] =	sst s0;
	s0 =	simm.s32 @!p1 $0x0  }
0x14: {  	s2 =	sld [smem:$0x3F95];
	s0 =	simm.s32 @p1 $0x1  }
0x15: {  	[smem:$0x3FB2] =	sst s0;
	s0 =	simm.s32 @!p2 $0x0  }
0x16: {  	s3 =	sld [smem:$0x3FDB];
	s0 =	simm.s32 @p2 $0x1  }
0x17: {  	s4 =	simm.s32 $0x1BF5;
	[smem:$0x3FB4] =	sst s0  }
0x18: {  	s0 =	sld [smem:$0x3F97];
	_ =	swait.ge [sflag:s4], $0x0  }
0x19: {  	s7 =	sld [smem:$0x3F98]  }
0x1a: {  	s8 =	sadd.s32 $0xFFFFE003, lr  }
0x1b: {  	s9 =	sadd.s32 $0xFFFFFEF7, lr;
	s5 =	simm.s32 $0xFFFFFFFF;
	p2 =	slt.u32 s8, $0xFFFFF086  }
0x1c: {  	p1 =	slt.u32 s9, $0xF7A;
	s5 =	simm.s32 @!p2 $0x0  }
0x1d: {  	s5 =	simm.s32 @p1 $0x1;
	p0 =	seq.s32 s7, s2  }
0x1e: {  	s7 =	smul.u32 @!p0 $0xF7A, s2;
	p2 =	seq.s32 @!p0 s5, $0x0  }
0x1f: {  	s9 =	smul.u32 $0xF7A, s1;
	s8 =	simm.s32 @!p0 $0x1BF5;
	p2 =	por !p2, p0  }
0x20: {  	[sflag:s8] =	ssyncset.s32 @!p0 $0xFFFFF086;
	s6 =	sadd.s32 @!p0 s3, s7;
	s7 =	simm.s32 @!p0 $0x108  }
0x21: {  	s3 =	sadd.s32 s3, s9;
	s6 =	sadd.s32 @!p0 $0x88, s6;
	s7 =	simm.s32 @p2 $0x1082  }
0x22: {  	[simem:s7], [sflag:s8] =	dma.local @!p0 [hbm:s6], $0xF7A  }
0x23: {  	s9 =	sor.u32 $0xD0000000, s2;
	s6 =	simm.s32 $0x108;
	_ =	swait.ge @!p0 [sflag:s8], $0x0  }
0x24: {  	s3 =	sadd.s32 $0x88, s3;
	s6 =	simm.s32 @!p1 $0x1082;
	[sflag:s4] =	ssyncset.s32 $0xFFFFF086  }
0x25: {  	[simem:s6], [sflag:s4] =	dma.local [hbm:s3], $0xF7A  }
0x26: {  	[smem:$0x3F98] =	sst s1;
	(tag) =	ssettag s2;
	_ =	strace s9  }
0x27: {  	s1 =	sld [smem:$0x3FA8]  }
0x28: {  	s2 =	sld [smem:$0x3FA9]  }
0x29: {  	s4 =	sld [smem:$0x3FAB]  }
0x2a: {  	p0 =	seq.s32 s5, $0x0;
	s5 =	sld [smem:$0x3FAC]  }
0x2b: {  	s6 =	sld [smem:$0x3FAD]  }
0x2c: {  	s7 =	sld [smem:$0x3FAE]  }
0x2d: {  	s3 =	simm.s32 $0x108;
	s8 =	sld [smem:$0x3FAF]  }
0x2e: {  	s3 =	simm.s32 @!p0 $0x1082;
	s9 =	sld [smem:$0x3FB0]  }
0x2f: {  	lr =	sadd.s32 s0, s3;
	s0 =	sld [smem:$0x3FA7]  }
0x30: {  	s3 =	sld [smem:$0x3FAA]  }
0x31: {  	[smem:$0x3FB3] =	sst s10  }
0x32: {  	s10 =	sld [smem:$0x3FB1];
	_ =	sdelay $0x3  }
0x33: {  	p0 =	seq.s32 s10, $0x1;
	s10 =	sld [smem:$0x3FB3];
	_ =	sdelay $0x3  }
0x34: {  	[smem:$0x3FB3] =	sst s10  }
0x35: {  	s10 =	sld [smem:$0x3FB2];
	_ =	sdelay $0x3  }
0x36: {  	p1 =	seq.s32 s10, $0x1;
	s10 =	sld [smem:$0x3FB3];
	_ =	sdelay $0x3  }
0x37: {  	[smem:$0x3FB3] =	sst s10  }
0x38: {  	s10 =	sld [smem:$0x3FB4]  }
0x39: {  	_ = 	snop;
	(pc) =	sbr.ind lr, $3  }
0x3a: {  	_ = 	snop  }
0x3b: {  	_ = 	snop  }
0x3c: {  	p2 =	seq.s32 s10, $0x1;
	s10 =	sld [smem:$0x3FB3]  }
0x3d: {  	_ =	shalt  }
0x3e: {  	_ =	shalt  }
0x3f: {  	_ =	shalt  }
0x40: {  	_ =	shalt  }
0x41: {  	_ =	shalt  }
0x42: {  	_ =	shalt  }
0x43: {  	_ =	shalt  }
0x44: {  	_ =	shalt  }
0x45: {  	_ =	shalt  }
0x46: {  	_ =	shalt  }
0x47: {  	_ =	shalt  }
0x48: {  	_ =	shalt  }
0x49: {  	_ =	shalt  }
0x4a: {  	_ =	shalt  }
0x4b: {  	_ =	shalt  }
0x4c: {  	_ =	shalt  }
0x4d: {  	_ =	shalt  }
0x4e: {  	_ =	shalt  }
0x4f: {  	_ =	shalt  }
0x50: {  	_ =	shalt  }
0x51: {  	_ =	shalt  }
0x52: {  	_ =	shalt  }
0x53: {  	_ =	shalt  }
0x54: {  	_ =	shalt  }
0x55: {  	_ =	shalt  }
0x56: {  	_ =	shalt  }
0x57: {  	_ =	shalt  }
0x58: {  	_ =	shalt  }
0x59: {  	_ =	shalt  }
0x5a: {  	_ =	shalt  }
0x5b: {  	_ =	shalt  }
0x5c: {  	_ =	shalt  }
0x5d: {  	_ =	shalt  }
0x5e: {  	_ =	shalt  }
0x5f: {  	_ =	shalt  }
0x60: {  	_ =	shalt  }
0x61: {  	_ =	shalt  }
0x62: {  	_ =	shalt  }
0x63: {  	_ =	shalt  }
0x64: {  	_ =	shalt  }
0x65: {  	_ =	shalt  }
0x66: {  	_ =	shalt  }
0x67: {  	_ =	shalt  }
0x68: {  	_ =	shalt  }
0x69: {  	_ =	shalt  }
0x6a: {  	_ =	shalt  }
0x6b: {  	_ =	shalt  }
0x6c: {  	_ =	shalt  }
0x6d: {  	_ =	shalt  }
0x6e: {  	_ =	shalt  }
0x6f: {  	_ =	shalt  }
0x70: {  	_ =	shalt  }
0x71: {  	_ =	shalt  }
0x72: {  	_ =	shalt  }
0x73: {  	_ =	shalt  }
0x74: {  	_ =	shalt  }
0x75: {  	_ =	shalt  }
0x76: {  	_ =	shalt  }
0x77: {  	_ =	shalt  }
0x78: {  	_ =	shalt  }
0x79: {  	_ =	shalt  }
0x7a: {  	_ =	shalt  }
0x7b: {  	_ =	shalt  }
0x7c: {  	_ =	shalt  }
0x7d: {  	_ =	shalt  }
0x7e: {  	_ =	shalt  }
0x7f: {  	_ =	shalt  }
0x80: {  	_ =	shalt  }
0x81: {  	_ =	shalt  }
0x82: {  	_ =	shalt  }
0x83: {  	_ =	shalt  }
0x84: {  	_ =	shalt  }
0x85: {  	_ =	shalt  }
0x86: {  	_ =	shalt  }
0x87: {  	_ =	shalt  }
.Lfunc_end0:
.L_simem_size_0:
called_computation.2_lowered:
.L_overlay_start_0:
0x88: {  	s2 =	sld [smem:$0x3FD9]  }
0x89: {  	s3 =	sld [smem:$0x3FFE];
	_ =	sdelay $0x1  }
0x8a: {  	s1 =	srdreg.scid  }
0x8b: {  	s0 =	sand.u32 $0x1, s1  }
0x8c: {  	s14 =	sshll.u32 s0, $0xA;
	s2 =	sadd.s32 s3, s2  }
0x8d: {  	s2 =	sadd.s32 s2, s14  }
0x8e: {  	[smem:$0x3FBF] =	sst s2  }
0x8f: {  	_ = 	snop  }
0x90: {  	s2 =	sld [smem:$0x3FD0];
	_ =	sdelay $0x2  }
0x91: {  	s15 =	simm.s32 $0xA;
	s4 =	simm.s32 $0x10  }
0x92: {  	[smem:s4], [sflag:s15] =	dma.local [hbm:s2], $0x1  }
0x93: {  	_ =	swait.eq [sflag:s15], $0x1  }
0x94: {  	[sflag:s15] =	ssyncset.done $0x0  }
0x95: {  	[sflag:s15] =	ssyncadd.s32 $0xFFFFFFFF  }
0x96: {  	s16 =	sld [smem:$0x10];
	(tm) =	ssettm $0x1  }
0x97: {  	s17 =	sld [smem:$0x3FFB];
	_ =	sdelay $0x3  }
0x98: {  	_ =	strace s17  }
0x99: {  	s3 =	sld [smem:$0x3FFC];
	_ =	sdelay $0x3  }
0x9a: {  	_ =	strace s3  }
0x9b: {  	s3 =	sld [smem:$0x3FFD];
	_ =	sdelay $0x3  }
0x9c: {  	_ =	strace s3  }
0x9d: {  	_ =	strace $0x8FFFFFFF  }
0x9e: {  	s18 =	sld [smem:$0x3FDB];
	_ =	sdelay $0x1  }
0x9f: {  	s19 =	simm.s32 $_scs_section_size  }
0xa0: {  	s5 =	simm.s32 $_size__tile_overlayer_lowered;
	s6 =	simm.s32 $_tile_overlayer_lowered  }
0xa1: {  	s22 =	simm.s32 $0x1BFF;
	s21 =	sshll.u32 s6, $0x1;
	s3 =	sadd.s32 s19, s18  }
0xa2: {  	s7 =	simm.s32 $0x0;
	s20 =	sshll.u32 s5, $0x1;
	s5 =	sadd.s32 s21, s3  }
0xa3: {  	[timem:s7], [sflag:s22] =	dma.local [hbm:s5], s20  }
0xa4: {  	_ =	swait.ge [sflag:s22], s20  }
0xa5: {  	s4 =	ssub.s32 $0x0, s20;
	[sflag:s22] =	ssyncset.done $0x0  }
0xa6: {  	[sflag:s22] =	ssyncadd.s32 s4;
	_ =	sdelay $0x1  }
0xa7: {  	s23 =	simm.s32 $0x1B8B  }
0xa8: {  	_ =	swait.ge [sflag:s23], $0x1  }
0xa9: {  	[sflag:s23] =	ssyncset.done $0x0  }
0xaa: {  	s25 =	simm.s32 $0x1B8E;
	s24 =	sld [smem:$0x3FFE];
	[sflag:s23] =	ssyncadd.s32 $0xFFFFFFFF  }
0xab: {  	s26 =	simm.s32 $execute0_lowered;
	[smem:$0x3FD2] =	sst s25  }
0xac: {  	s5 =	sshll.u32 s26, $0x1;
	_ =	strace $0x8000004C;
	[dreg:$0x1] =	wrdreg $0xFFFFFFFF  }
0xad: {  	s28 =	simm.s32 $_size_execute0_lowered;
	s3 =	sadd.s32 s3, s5;
	[dreg:$0x0] =	wrdreg $0x0  }
0xae: {  	s5 =	sshll.u32 s28, $0x1;
	[dreg:$0x2] =	wrdreg s3  }
0xaf: {  	[dreg:$0x3] =	wrdreg s5  }
0xb0: {  	[dreg:$0x4] =	wrdreg $0xC0  }
0xb1: {  	_ =	task [dreg:s7], $0x5FFFF  }
0xb2: {  	[dreg:$0x1] =	wrdreg $0xFFFFFFFF  }
0xb3: {  	[dreg:$0x0] =	wrdreg $0x60  }
0xb4: {  	[dreg:$0x2] =	wrdreg s24  }
0xb5: {  	[dreg:$0x3] =	wrdreg s16  }
0xb6: {  	[dreg:$0x4] =	wrdreg $0x9  }
0xb7: {  	_ =	task.clear_ibuf [dreg:s7], $0x5FFFF;
	_ =	strace $0x9000004C  }
0xb8: {  	s29 =	simm.s32 $0x9;
	_ =	strace $0x8000004E  }
0xb9: {  	_ =	swait.ge [sflag:s29], $0x1  }
0xba: {  	[sflag:s29] =	ssyncadd.s32 $0xFFFFFFFF  }
0xbb: {  	_ =	strace $0x9000004E  }
0xbc: {  	_ =	sfence  }
0xbd: {  	s30 =	sld [smem:$0x0];
	_ =	sdelay $0x2  }
0xbe: {  	s31 =	sshll.u32 s1, $0xD;
	s1 =	sshrl.u32 s1, $0x2  }
0xbf: {  	s3 =	sand.u32 $0x4000, s31;
	s1 =	sadd.s32 s1, s30  }
0xc0: {  	s0 =	sor.u32 s3, s0;
	s1 =	sshll.u32 s1, $0x11  }
0xc1: {  	s0 =	sor.u32 s1, s0  }
0xc2: {  	s0 =	sadd.s32 $0x8F2B, s0  }
0xc3: {  	[sflag:s0] =	ssyncadd.remote.s32 $0x1  }
0xc4: {  	_ =	sfence.sel $0xFFFF  }
0xc5: {  	[dreg:$0x0] =	wrdreg $0xFFFFFFFF;
	(pc) =	sbr.abs _section_cstart, $3  }
0xc6: {  	[dreg:$0x1] =	wrdreg $0xFFFFFFFF  }
0xc7: {  	_ =	task.clear_ibuf [dreg:s7], $0x2FFFF;
	_ =	strace $0x9FFFFFFF  }
0xc8: {  	(tm) =	ssettm $0x7FFFFFFF  }
0xc9: {  	_ =	shalt  }
tec
execute0_lowered:
.L_overlay_start_1:
0x0: {  	(tag) =	ssettag $0x1  }
0x1: {  	s6 =	rddreg [dreg:$0x0]  }
0x2: {  	s8 =	rddreg [dreg:$0x1]  }
0x3: {  	s3 =	srdreg.scid;
	s2 =	simm.s32 $0x0;
	s0 =	stileid.u32  }
0x4: {  	s11 =	simm.s32 $0x900;
	s22 =	simm.s32 $0x1100;
	s23 =	simm.s32 $0x1900  }
0x5: {  	s24 =	simm.s32 $0x2100;
	s25 =	simm.s32 $0x2900;
	s26 =	simm.s32 $0x3100  }
0x6: {  	s29 =	simm.s32 $0x3900;
	s30 =	simm.s32 $0x4100;
	[smem:$0x7FF] =	sst s2  }
0x7: {  	s31 =	simm.s32 $0x4900;
	_ =	strace $0x8000004D;
	[dreg:$0x3] =	wrdreg s11  }
0x8: {  	s13 =	simm.s32 $0x5900;
	s14 =	simm.s32 $0x6100;
	[dreg:$0x4] =	wrdreg s22  }
0x9: {  	s15 =	simm.s32 $0x6900;
	s16 =	simm.s32 $0x7100;
	[dreg:$0x5] =	wrdreg s23  }
0xa: {  	s17 =	simm.s32 $0x7900;
	s18 =	simm.s32 $0x8100;
	[dreg:$0x6] =	wrdreg s24  }
0xb: {  	s19 =	simm.s32 $0x8900;
	s20 =	simm.s32 $0x9100;
	[dreg:$0x7] =	wrdreg s25  }
0xc: {  	s28 =	simm.s32 $0x0;
	s5 =	sand.u32 $0x1, s3;
	[dreg:$0x8] =	wrdreg s26  }
0xd: {  	s21 =	sshll.u32 s0, $0xB;
	s4 =	sshll.u32 s5, $0xA;
	[dreg:$0x9] =	wrdreg s29  }
0xe: {  	s5 =	ssub.s32 $0x2, s5;
	[dreg:$0xa] =	wrdreg s30;
	s11 =	simm.s32 $0x100  }
0xf: {  	[dreg:$0xb] =	wrdreg s31;
	s22 =	simm.s32 $0xA100;
	s23 =	simm.s32 $0xA900  }
0x10: {  	s24 =	simm.s32 $0xB100;
	s25 =	simm.s32 $0xB900;
	s26 =	simm.s32 $0x1  }
0x11: {  	s3 =	sor.u32 s4, s21;
	s4 =	sadd.s32 $0x6E00, s6;
	s10 =	sshrl.u32 s5, $0x1  }
0x12: {  	s21 =	simm.s32 $0x9900;
	s7 =	sshrl.u32 s3, $0x3;
	s10 =	ssub.s32 s5, s10  }
0x13: {  	v3 =	vlaneseq.u32;
	s5 =	sadd.s32 $0x6F00, s6;
	s9 =	sadd.s32 s7, s6;
	s12 =	smul.u32 $0x300, s7  }
0x14: {  	vm0 =	vmmov $0xffff;
	v0 =	vor.u32 $0x8800, v3;
	v2 =	vshrl.u32 v3, $0x3;
	s6 =	sadd.s32 $0x7000, s6;
	s7 =	smax.u32 s10, $0x1;
	s10 =	simm.s32 $0x2  }
0x15: {  	v1 =	vand.u32 $0x7, v3;
	v3 =	vor.u32 $0x8, v3;
	v2 =	vmul.u32 $0x8, v2;
	s9 =	sadd.s32 $0xA00, s9;
	s8 =	sadd.s32 s12, s8;
	s12 =	simm.s32 $0x5100  }
.LBB2_1:
0x16: {  	s29 =	smov.u32 s9;
	s30 =	smov.u32 s8;
	s31 =	simm.s32 $0x0  }
.LBB2_2:
0x17: {  	[tilespmem:s2], [sflag:$0x2] =	stream.linear.gather [hbm4b:s29+s2], $0x40, $0x38;
	[tilespmem:$0xC100] =	vst v63  }
0x18: {  	_ =	swait.ge [sflag:s10], $0x40  }
0x19: {  	[sflag:s10] =	ssyncset.done $0x0  }
0x1a: {  	[sflag:s10] =	ssyncadd.s32 $0xFFFFFFC0  }
0x1b: {  	v4 =	vld [tilespmem:$0x0];
	_ =	sdelay $0x3  }
0x1c: {  	s0 =	sadd.s32 s31, s3  }
0x1d: {  	v5 =	vadd.s32 s0, v0;
	vm1 =	vlt.s32 v4, $0x8000  }
0x1e: {  	v4 =	vsel vm1, v4, v5  }
0x1f: {  	v5 =	vshrl.u32 v4, $0x3  }
0x20: {  	v6 =	vld [tilespmem:$0x10];
	v5 =	vmul.u32 $0x30, v5  }
0x21: {  	v7 =	vld [tilespmem:$0x20];
	v8 =	vand.u32 $0x7, v4  }
0x22: {  	v9 =	vld [tilespmem:$0x30];
	v5 =	vor.u32 v8, v5  }
0x23: {  	v8 =	vperm.xlane v5, v1  }
0x24: {  	s1 =	sadd.s32 $0x10, s0  }
0x25: {  	v10 =	vadd.s32 s1, v0;
	s1 =	sadd.s32 $0x20, s0;
	vm1 =	vlt.s32 v6, $0x8000;
	v8 =	vadd.s32 v2, v8  }
0x26: {  	s0 =	sadd.s32 $0x30, s0;
	v62 =	vadd.s32 s1, v0;
	[tilespmem:$0x80] =	vst v4;
	v4 =	vsel vm1, v6, v10;
	vm1 =	vlt.s32 v7, $0x8000  }
0x27: {  	v63 =	vadd.s32 s0, v0;
	[tilespmem:$0x90] =	vst v4;
	v4 =	vsel vm1, v7, v62;
	vm1 =	vlt.s32 v9, $0x8000  }
0x28: {  	[tilespmem:$0xA0] =	vst v4;
	v4 =	vsel vm1, v9, v63  }
0x29: {  	[tilespmem:$0xB0] =	vst v4;
	v4 =	vperm.xlane v5, v3  }
0x2a: {  	[tilespmem:s11], [sflag:$0x1] =	stream.indirect_vreg.gather [hbm4b:s4+s2], $0x80, v8, vm0, $0xb8;
	[tilespmem:$0xC100] =	vst v63  }
0x2b: {  	s0 =	rddreg [dreg:$0x3];
	v4 =	vadd.s32 v2, v4  }
0x2c: {  	[tilespmem:s0], [sflag:$0x1] =	stream.indirect_vreg.gather [hbm4b:s5+s2], $0x80, v8, vm0, $0xb8;
	[tilespmem:$0xC100] =	vst v63  }
0x2d: {  	s1 =	rddreg [dreg:$0x4]  }
0x2e: {  	[tilespmem:s1], [sflag:$0x1] =	stream.indirect_vreg.gather [hbm4b:s6+s2], $0x80, v8, vm0, $0xb8;
	[tilespmem:$0xC100] =	vst v63  }
0x2f: {  	s0 =	rddreg [dreg:$0x5]  }
0x30: {  	[tilespmem:s0], [sflag:$0x1] =	stream.indirect_vreg.gather [hbm4b:s4+s2], $0x80, v4, vm0, $0xb8;
	[tilespmem:$0xC100] =	vst v63  }
0x31: {  	s1 =	rddreg [dreg:$0x6]  }
0x32: {  	[tilespmem:s1], [sflag:$0x1] =	stream.indirect_vreg.gather [hbm4b:s5+s2], $0x80, v4, vm0, $0xb8;
	[tilespmem:$0xC100] =	vst v63  }
0x33: {  	s0 =	rddreg [dreg:$0x7]  }
0x34: {  	[tilespmem:s0], [sflag:$0x1] =	stream.indirect_vreg.gather [hbm4b:s6+s2], $0x80, v4, vm0, $0xb8;
	[tilespmem:$0xC100] =	vst v63  }
0x35: {  	v4 =	vld [tilespmem:$0x90];
	_ =	sdelay $0x4  }
0x36: {  	v5 =	vshrl.u32 v4, $0x3  }
0x37: {  	v5 =	vmul.u32 $0x30, v5  }
0x38: {  	v4 =	vand.u32 $0x7, v4  }
0x39: {  	v4 =	vor.u32 v4, v5  }
0x3a: {  	v5 =	vperm.xlane v4, v1;
	_ =	sdelay $0x1  }
0x3b: {  	v5 =	vadd.s32 v2, v5;
	_ =	sdelay $0x3  }
0x3c: {  	s0 =	rddreg [dreg:$0x8];
	v4 =	vperm.xlane v4, v3  }
0x3d: {  	[tilespmem:s0], [sflag:$0x1] =	stream.indirect_vreg.gather [hbm4b:s4+s2], $0x80, v5, vm0, $0xb8;
	[tilespmem:$0xC100] =	vst v63  }
0x3e: {  	s1 =	rddreg [dreg:$0x9];
	v4 =	vadd.s32 v2, v4  }
0x3f: {  	[tilespmem:s1], [sflag:$0x1] =	stream.indirect_vreg.gather [hbm4b:s5+s2], $0x80, v5, vm0, $0xb8;
	[tilespmem:$0xC100] =	vst v63  }
0x40: {  	s0 =	rddreg [dreg:$0xa]  }
0x41: {  	[tilespmem:s0], [sflag:$0x1] =	stream.indirect_vreg.gather [hbm4b:s6+s2], $0x80, v5, vm0, $0xb8;
	[tilespmem:$0xC100] =	vst v63  }
0x42: {  	s1 =	rddreg [dreg:$0xb]  }
0x43: {  	[tilespmem:s1], [sflag:$0x1] =	stream.indirect_vreg.gather [hbm4b:s4+s2], $0x80, v4, vm0, $0xb8;
	[tilespmem:$0xC100] =	vst v63  }
0x44: {  	_ = 	snop  }
0x45: {  	[tilespmem:s12], [sflag:$0x1] =	stream.indirect_vreg.gather [hbm4b:s5+s2], $0x80, v4, vm0, $0xb8;
	[tilespmem:$0xC100] =	vst v63  }
0x46: {  	_ = 	snop  }
0x47: {  	[tilespmem:s13], [sflag:$0x1] =	stream.indirect_vreg.gather [hbm4b:s6+s2], $0x80, v4, vm0, $0xb8;
	[tilespmem:$0xC100] =	vst v63  }
0x48: {  	v4 =	vld [tilespmem:$0xA0];
	_ =	sdelay $0x4  }
0x49: {  	v5 =	vshrl.u32 v4, $0x3  }
0x4a: {  	v5 =	vmul.u32 $0x30, v5  }
0x4b: {  	v4 =	vand.u32 $0x7, v4  }
0x4c: {  	v4 =	vor.u32 v4, v5  }
0x4d: {  	v5 =	vperm.xlane v4, v1;
	_ =	sdelay $0x1  }
0x4e: {  	v5 =	vadd.s32 v2, v5;
	_ =	sdelay $0x3  }
0x4f: {  	v4 =	vperm.xlane v4, v3  }
0x50: {  	[tilespmem:s14], [sflag:$0x1] =	stream.indirect_vreg.gather [hbm4b:s4+s2], $0x80, v5, vm0, $0xb8;
	[tilespmem:$0xC100] =	vst v63  }
0x51: {  	v4 =	vadd.s32 v2, v4  }
0x52: {  	[tilespmem:s15], [sflag:$0x1] =	stream.indirect_vreg.gather [hbm4b:s5+s2], $0x80, v5, vm0, $0xb8;
	[tilespmem:$0xC100] =	vst v63  }
0x53: {  	_ = 	snop  }
0x54: {  	[tilespmem:s16], [sflag:$0x1] =	stream.indirect_vreg.gather [hbm4b:s6+s2], $0x80, v5, vm0, $0xb8;
	[tilespmem:$0xC100] =	vst v63  }
0x55: {  	_ = 	snop  }
0x56: {  	[tilespmem:s17], [sflag:$0x1] =	stream.indirect_vreg.gather [hbm4b:s4+s2], $0x80, v4, vm0, $0xb8;
	[tilespmem:$0xC100] =	vst v63  }
0x57: {  	_ = 	snop  }
0x58: {  	[tilespmem:s18], [sflag:$0x1] =	stream.indirect_vreg.gather [hbm4b:s5+s2], $0x80, v4, vm0, $0xb8;
	[tilespmem:$0xC100] =	vst v63  }
0x59: {  	_ = 	snop  }
0x5a: {  	[tilespmem:s19], [sflag:$0x1] =	stream.indirect_vreg.gather [hbm4b:s6+s2], $0x80, v4, vm0, $0xb8;
	[tilespmem:$0xC100] =	vst v63  }
0x5b: {  	v4 =	vld [tilespmem:$0xB0];
	_ =	sdelay $0x4  }
0x5c: {  	v5 =	vshrl.u32 v4, $0x3  }
0x5d: {  	v5 =	vmul.u32 $0x30, v5  }
0x5e: {  	v4 =	vand.u32 $0x7, v4  }
0x5f: {  	v4 =	vor.u32 v4, v5  }
0x60: {  	v5 =	vperm.xlane v4, v1;
	_ =	sdelay $0x1  }
0x61: {  	v5 =	vadd.s32 v2, v5;
	_ =	sdelay $0x3  }
0x62: {  	v4 =	vperm.xlane v4, v3  }
0x63: {  	[tilespmem:s20], [sflag:$0x1] =	stream.indirect_vreg.gather [hbm4b:s4+s2], $0x80, v5, vm0, $0xb8;
	[tilespmem:$0xC100] =	vst v63  }
0x64: {  	v4 =	vadd.s32 v2, v4  }
0x65: {  	[tilespmem:s21], [sflag:$0x1] =	stream.indirect_vreg.gather [hbm4b:s5+s2], $0x80, v5, vm0, $0xb8;
	[tilespmem:$0xC100] =	vst v63  }
0x66: {  	_ = 	snop  }
0x67: {  	[tilespmem:s22], [sflag:$0x1] =	stream.indirect_vreg.gather [hbm4b:s6+s2], $0x80, v5, vm0, $0xb8;
	[tilespmem:$0xC100] =	vst v63  }
0x68: {  	_ = 	snop  }
0x69: {  	[tilespmem:s23], [sflag:$0x1] =	stream.indirect_vreg.gather [hbm4b:s4+s2], $0x80, v4, vm0, $0xb8;
	[tilespmem:$0xC100] =	vst v63  }
0x6a: {  	_ = 	snop  }
0x6b: {  	[tilespmem:s24], [sflag:$0x1] =	stream.indirect_vreg.gather [hbm4b:s5+s2], $0x80, v4, vm0, $0xb8;
	[tilespmem:$0xC100] =	vst v63  }
0x6c: {  	_ = 	snop  }
0x6d: {  	[tilespmem:s25], [sflag:$0x1] =	stream.indirect_vreg.gather [hbm4b:s6+s2], $0x80, v4, vm0, $0xb8;
	[tilespmem:$0xC100] =	vst v63  }
0x6e: {  	_ =	swait.ge [sflag:s26], $0xC000  }
0x6f: {  	p0 =	sne.s32 s31, $0x3C0;
	[sflag:s26] =	ssyncset.done $0x0  }
.Ltmp0:
0x70: {  	[sflag:s26] =	ssyncadd.s32 $0xFFFF4000;
	(pc) =	sbr.rel @p0 .LBB2_2-.Ltmp0, $4  }
0x71: {  	[hbm4b:s30+s2] =	stream.linear.scatter [tilespmem:s11], [sflag:$0x2], $0xC000, $0x38;
	[tilespmem:$0xC100] =	vst v63  }
0x72: {  	_ =	swait.ge [sflag:s10], $0xC000  }
0x73: {  	s29 =	sadd.s32 $0x8, s29;
	[sflag:s10] =	ssyncset.done $0x0  }
0x74: {  	s31 =	sadd.s32 $0x40, s31;
	s30 =	sadd.s32 $0x1800, s30;
	[sflag:s10] =	ssyncadd.s32 $0xFFFF4000  }
0x75: {  	s28 =	sadd.s32 $0x1, s28  }
0x76: {  	p0 =	sne.s32 s28, s7  }
.Ltmp1:
0x77: {  	_ = 	snop;
	(pc) =	sbr.rel @p0 .LBB2_1-.Ltmp1, $1  }
0x78: {  	_ =	sdelay $0x3  }
0x79: {  	_ =	sfence.sel $0x180000  }
0x7a: {  	[bflag:$0x0] =	sbarrier.arrive $0xFFFF  }
0x7b: {  	_ =	strace $0x9000004D  }
0x7c: {  	s0 =	stileid.u32;
	[bflag:$0x2] =	sbarrier.arrive $0xFFFF  }
0x7d: {  	p0 =	sne.s32 s0, $0x0;
	s0 =	rddreg [dreg:$0x2]  }
0x7e: {  	s0 =	sadd.s32 @!p0 $0x100000, s0  }
0x7f: {  	[sflag:s0] =	ssyncadd.tile.s32 @!p0 $0x1;
	_ =	shalt  }
.Lfunc_end2:
_tile_overlayer_lowered:
.L_overlay_start_2:
0x80: {  	(tag) =	ssettag $0x2  }
0x81: {  	s0 =	rddreg [dreg:$0x0];
	s2 =	stileid.u32  }
0x82: {  	s1 =	rddreg [dreg:$0x1];
	p0 =	sne.s32 s2, $0x0  }
0x83: {  	s3 =	rddreg [dreg:$0x2];
	[bflag:$0x3] =	sbarrier.arrive $0xFFFF;
	s2 =	simm.s32 @!p0 $0x1C02  }
0x84: {  	[timem:s3], [sflag:s2] =	dma.local @!p0 [hbm:s0], s1  }
0x85: {  	s0 =	simm.s32 @!p0 $0x2  }
0x86: {  	_ =	swait.ge @!p0 [sflag:s0], s1  }
0x87: {  	s1 =	ssub.s32 @!p0 $0x0, s1;
	[sflag:s0] =	ssyncset.done @!p0 $0x0  }
0x88: {  	[sflag:s0] =	ssyncadd.s32 @!p0 s1  }
0x89: {  	[bflag:$0x3] =	sbarrier.arrive $0xFFFF  }
0x8a: {  	_ =	shalt  }

// kernel: kernel.8.cloned.1.call-start
scs
__scs_entry_jumppad:
0x0: {  	(pc) =	sbr.rel $0x88, $3  }
0x1: {  	(tag) =	ssettag $0x0;
	lr =	simm.s32 $0x1  }
0x2: {  	[smem:$0x3F98] =	sst lr;
	_ =	strace $0xD0000000  }
0x3: {  	_ = 	snop  }
0x4: {  	_ = 	snop  }
0x5: {  	_ = 	snop  }
0x6: {  	_ = 	snop  }
0x7: {  	_ = 	snop  }
__scs_overlays_trampoline_lowered:
0x8: {  	[smem:$0x3FA7] =	sst s0  }
0x9: {  	[smem:$0x3FA8] =	sst s1  }
0xa: {  	[smem:$0x3FA9] =	sst s2  }
0xb: {  	[smem:$0x3FAA] =	sst s3  }
0xc: {  	[smem:$0x3FAB] =	sst s4  }
0xd: {  	[smem:$0x3FAC] =	sst s5  }
0xe: {  	[smem:$0x3FAD] =	sst s6  }
0xf: {  	[smem:$0x3FAE] =	sst s7  }
0x10: {  	[smem:$0x3FAF] =	sst s8  }
0x11: {  	[smem:$0x3FB0] =	sst s9;
	s0 =	simm.s32 @!p0 $0x0  }
0x12: {  	s1 =	sld [smem:$0x3F96];
	s0 =	simm.s32 @p0 $0x1  }
0x13: {  	[smem:$0x3FB1] =	sst s0;
	s0 =	simm.s32 @!p1 $0x0  }
0x14: {  	s2 =	sld [smem:$0x3F95];
	s0 =	simm.s32 @p1 $0x1  }
0x15: {  	[smem:$0x3FB2] =	sst s0;
	s0 =	simm.s32 @!p2 $0x0  }
0x16: {  	s3 =	sld [smem:$0x3FDB];
	s0 =	simm.s32 @p2 $0x1  }
0x17: {  	s4 =	simm.s32 $0x1BF5;
	[smem:$0x3FB4] =	sst s0  }
0x18: {  	s0 =	sld [smem:$0x3F97];
	_ =	swait.ge [sflag:s4], $0x0  }
0x19: {  	s7 =	sld [smem:$0x3F98]  }
0x1a: {  	s8 =	sadd.s32 $0xFFFFE003, lr  }
0x1b: {  	s9 =	sadd.s32 $0xFFFFFEF7, lr;
	s5 =	simm.s32 $0xFFFFFFFF;
	p2 =	slt.u32 s8, $0xFFFFF086  }
0x1c: {  	p1 =	slt.u32 s9, $0xF7A;
	s5 =	simm.s32 @!p2 $0x0  }
0x1d: {  	s5 =	simm.s32 @p1 $0x1;
	p0 =	seq.s32 s7, s2  }
0x1e: {  	s7 =	smul.u32 @!p0 $0xF7A, s2;
	p2 =	seq.s32 @!p0 s5, $0x0  }
0x1f: {  	s9 =	smul.u32 $0xF7A, s1;
	s8 =	simm.s32 @!p0 $0x1BF5;
	p2 =	por !p2, p0  }
0x20: {  	[sflag:s8] =	ssyncset.s32 @!p0 $0xFFFFF086;
	s6 =	sadd.s32 @!p0 s3, s7;
	s7 =	simm.s32 @!p0 $0x108  }
0x21: {  	s3 =	sadd.s32 s3, s9;
	s6 =	sadd.s32 @!p0 $0x88, s6;
	s7 =	simm.s32 @p2 $0x1082  }
0x22: {  	[simem:s7], [sflag:s8] =	dma.local @!p0 [hbm:s6], $0xF7A  }
0x23: {  	s9 =	sor.u32 $0xD0000000, s2;
	s6 =	simm.s32 $0x108;
	_ =	swait.ge @!p0 [sflag:s8], $0x0  }
0x24: {  	s3 =	sadd.s32 $0x88, s3;
	s6 =	simm.s32 @!p1 $0x1082;
	[sflag:s4] =	ssyncset.s32 $0xFFFFF086  }
0x25: {  	[simem:s6], [sflag:s4] =	dma.local [hbm:s3], $0xF7A  }
0x26: {  	[smem:$0x3F98] =	sst s1;
	(tag) =	ssettag s2;
	_ =	strace s9  }
0x27: {  	s1 =	sld [smem:$0x3FA8]  }
0x28: {  	s2 =	sld [smem:$0x3FA9]  }
0x29: {  	s4 =	sld [smem:$0x3FAB]  }
0x2a: {  	p0 =	seq.s32 s5, $0x0;
	s5 =	sld [smem:$0x3FAC]  }
0x2b: {  	s6 =	sld [smem:$0x3FAD]  }
0x2c: {  	s7 =	sld [smem:$0x3FAE]  }
0x2d: {  	s3 =	simm.s32 $0x108;
	s8 =	sld [smem:$0x3FAF]  }
0x2e: {  	s3 =	simm.s32 @!p0 $0x1082;
	s9 =	sld [smem:$0x3FB0]  }
0x2f: {  	lr =	sadd.s32 s0, s3;
	s0 =	sld [smem:$0x3FA7]  }
0x30: {  	s3 =	sld [smem:$0x3FAA]  }
0x31: {  	[smem:$0x3FB3] =	sst s10  }
0x32: {  	s10 =	sld [smem:$0x3FB1];
	_ =	sdelay $0x3  }
0x33: {  	p0 =	seq.s32 s10, $0x1;
	s10 =	sld [smem:$0x3FB3];
	_ =	sdelay $0x3  }
0x34: {  	[smem:$0x3FB3] =	sst s10  }
0x35: {  	s10 =	sld [smem:$0x3FB2];
	_ =	sdelay $0x3  }
0x36: {  	p1 =	seq.s32 s10, $0x1;
	s10 =	sld [smem:$0x3FB3];
	_ =	sdelay $0x3  }
0x37: {  	[smem:$0x3FB3] =	sst s10  }
0x38: {  	s10 =	sld [smem:$0x3FB4]  }
0x39: {  	_ = 	snop;
	(pc) =	sbr.ind lr, $3  }
0x3a: {  	_ = 	snop  }
0x3b: {  	_ = 	snop  }
0x3c: {  	p2 =	seq.s32 s10, $0x1;
	s10 =	sld [smem:$0x3FB3]  }
0x3d: {  	_ =	shalt  }
0x3e: {  	_ =	shalt  }
0x3f: {  	_ =	shalt  }
0x40: {  	_ =	shalt  }
0x41: {  	_ =	shalt  }
0x42: {  	_ =	shalt  }
0x43: {  	_ =	shalt  }
0x44: {  	_ =	shalt  }
0x45: {  	_ =	shalt  }
0x46: {  	_ =	shalt  }
0x47: {  	_ =	shalt  }
0x48: {  	_ =	shalt  }
0x49: {  	_ =	shalt  }
0x4a: {  	_ =	shalt  }
0x4b: {  	_ =	shalt  }
0x4c: {  	_ =	shalt  }
0x4d: {  	_ =	shalt  }
0x4e: {  	_ =	shalt  }
0x4f: {  	_ =	shalt  }
0x50: {  	_ =	shalt  }
0x51: {  	_ =	shalt  }
0x52: {  	_ =	shalt  }
0x53: {  	_ =	shalt  }
0x54: {  	_ =	shalt  }
0x55: {  	_ =	shalt  }
0x56: {  	_ =	shalt  }
0x57: {  	_ =	shalt  }
0x58: {  	_ =	shalt  }
0x59: {  	_ =	shalt  }
0x5a: {  	_ =	shalt  }
0x5b: {  	_ =	shalt  }
0x5c: {  	_ =	shalt  }
0x5d: {  	_ =	shalt  }
0x5e: {  	_ =	shalt  }
0x5f: {  	_ =	shalt  }
0x60: {  	_ =	shalt  }
0x61: {  	_ =	shalt  }
0x62: {  	_ =	shalt  }
0x63: {  	_ =	shalt  }
0x64: {  	_ =	shalt  }
0x65: {  	_ =	shalt  }
0x66: {  	_ =	shalt  }
0x67: {  	_ =	shalt  }
0x68: {  	_ =	shalt  }
0x69: {  	_ =	shalt  }
0x6a: {  	_ =	shalt  }
0x6b: {  	_ =	shalt  }
0x6c: {  	_ =	shalt  }
0x6d: {  	_ =	shalt  }
0x6e: {  	_ =	shalt  }
0x6f: {  	_ =	shalt  }
0x70: {  	_ =	shalt  }
0x71: {  	_ =	shalt  }
0x72: {  	_ =	shalt  }
0x73: {  	_ =	shalt  }
0x74: {  	_ =	shalt  }
0x75: {  	_ =	shalt  }
0x76: {  	_ =	shalt  }
0x77: {  	_ =	shalt  }
0x78: {  	_ =	shalt  }
0x79: {  	_ =	shalt  }
0x7a: {  	_ =	shalt  }
0x7b: {  	_ =	shalt  }
0x7c: {  	_ =	shalt  }
0x7d: {  	_ =	shalt  }
0x7e: {  	_ =	shalt  }
0x7f: {  	_ =	shalt  }
0x80: {  	_ =	shalt  }
0x81: {  	_ =	shalt  }
0x82: {  	_ =	shalt  }
0x83: {  	_ =	shalt  }
0x84: {  	_ =	shalt  }
0x85: {  	_ =	shalt  }
0x86: {  	_ =	shalt  }
0x87: {  	_ =	shalt  }
.Lfunc_end0:
.L_simem_size_0:
called_computation.1_lowered:
.L_overlay_start_0:
0x88: {  	s2 =	sld [smem:$0x3FD9]  }
0x89: {  	s3 =	sld [smem:$0x3FFE];
	_ =	sdelay $0x1  }
0x8a: {  	s1 =	srdreg.scid  }
0x8b: {  	s0 =	sand.u32 $0x1, s1  }
0x8c: {  	s16 =	sshll.u32 s0, $0xA;
	s2 =	sadd.s32 s3, s2  }
0x8d: {  	s2 =	sadd.s32 s2, s16  }
0x8e: {  	[smem:$0x3FBF] =	sst s2  }
0x8f: {  	_ = 	snop  }
0x90: {  	(tm) =	ssettm $0x1  }
0x91: {  	s17 =	sld [smem:$0x3FFB];
	_ =	sdelay $0x3  }
0x92: {  	_ =	strace s17  }
0x93: {  	s2 =	sld [smem:$0x3FFC];
	_ =	sdelay $0x3  }
0x94: {  	_ =	strace s2  }
0x95: {  	s2 =	sld [smem:$0x3FFD];
	_ =	sdelay $0x3  }
0x96: {  	_ =	strace s2  }
0x97: {  	_ =	strace $0x8FFFFFFF  }
0x98: {  	s18 =	sld [smem:$0x3FDB];
	_ =	sdelay $0x1  }
0x99: {  	s19 =	simm.s32 $_scs_section_size  }
0x9a: {  	s4 =	simm.s32 $_size__tile_overlayer_lowered;
	s5 =	simm.s32 $_tile_overlayer_lowered  }
0x9b: {  	s22 =	simm.s32 $0x1BFF;
	s21 =	sshll.u32 s5, $0x1;
	s2 =	sadd.s32 s19, s18  }
0x9c: {  	s6 =	simm.s32 $0x0;
	s20 =	sshll.u32 s4, $0x1;
	s4 =	sadd.s32 s21, s2  }
0x9d: {  	[timem:s6], [sflag:s22] =	dma.local [hbm:s4], s20  }
0x9e: {  	_ =	swait.ge [sflag:s22], s20  }
0x9f: {  	s3 =	ssub.s32 $0x0, s20;
	[sflag:s22] =	ssyncset.done $0x0  }
0xa0: {  	[sflag:s22] =	ssyncadd.s32 s3;
	_ =	sdelay $0x1  }
0xa1: {  	s23 =	simm.s32 $0x1B8B  }
0xa2: {  	_ =	swait.ge [sflag:s23], $0x1  }
0xa3: {  	[sflag:s23] =	ssyncset.done $0x0  }
0xa4: {  	s25 =	simm.s32 $0x1B8E;
	s24 =	sld [smem:$0x3FFE];
	[sflag:s23] =	ssyncadd.s32 $0xFFFFFFFF  }
0xa5: {  	s26 =	simm.s32 $execute0_lowered;
	[smem:$0x3FD2] =	sst s25  }
0xa6: {  	s4 =	sshll.u32 s26, $0x1;
	_ =	strace $0x80000049;
	[dreg:$0x1] =	wrdreg $0xFFFFFFFF  }
0xa7: {  	s28 =	simm.s32 $_size_execute0_lowered;
	s2 =	sadd.s32 s2, s4;
	[dreg:$0x0] =	wrdreg $0x0  }
0xa8: {  	s4 =	sshll.u32 s28, $0x1;
	[dreg:$0x2] =	wrdreg s2  }
0xa9: {  	[dreg:$0x3] =	wrdreg s4  }
0xaa: {  	[dreg:$0x4] =	wrdreg $0xC0  }
0xab: {  	_ =	task [dreg:s6], $0x5FFFF  }
0xac: {  	[dreg:$0x1] =	wrdreg $0xFFFFFFFF  }
0xad: {  	[dreg:$0x0] =	wrdreg $0x60  }
0xae: {  	[dreg:$0x2] =	wrdreg s24  }
0xaf: {  	[dreg:$0x3] =	wrdreg $0x9  }
0xb0: {  	_ =	task.clear_ibuf [dreg:s6], $0x4FFFF;
	_ =	strace $0x90000049  }
0xb1: {  	s29 =	simm.s32 $0x9;
	_ =	strace $0x8000004B  }
0xb2: {  	_ =	swait.ge [sflag:s29], $0x1  }
0xb3: {  	[sflag:s29] =	ssyncadd.s32 $0xFFFFFFFF  }
0xb4: {  	_ =	strace $0x9000004B  }
0xb5: {  	_ =	sfence  }
0xb6: {  	s30 =	sld [smem:$0x0];
	_ =	sdelay $0x2  }
0xb7: {  	s31 =	sshll.u32 s1, $0xD;
	s1 =	sshrl.u32 s1, $0x2  }
0xb8: {  	s3 =	sand.u32 $0x4000, s31;
	s1 =	sadd.s32 s1, s30  }
0xb9: {  	s0 =	sor.u32 s3, s0;
	s1 =	sshll.u32 s1, $0x11  }
0xba: {  	s0 =	sor.u32 s1, s0  }
0xbb: {  	s0 =	sadd.s32 $0x8F2B, s0  }
0xbc: {  	[sflag:s0] =	ssyncadd.remote.s32 $0x1  }
0xbd: {  	_ =	sfence.sel $0xFFFF  }
0xbe: {  	[dreg:$0x0] =	wrdreg $0xFFFFFFFF;
	(pc) =	sbr.abs _section_cstart, $3  }
0xbf: {  	[dreg:$0x1] =	wrdreg $0xFFFFFFFF  }
0xc0: {  	_ =	task.clear_ibuf [dreg:s6], $0x2FFFF;
	_ =	strace $0x9FFFFFFF  }
0xc1: {  	(tm) =	ssettm $0x7FFFFFFF  }
tec
execute0_lowered:
.L_overlay_start_1:
0x0: {  	(tag) =	ssettag $0x1  }
0x1: {  	s2 =	stileid.u32  }
0x2: {  	s1 =	rddreg [dreg:$0x0];
	s10 =	sshll.u32 s2, $0xB;
	s2 =	simm.s32 $0x0  }
0x3: {  	s12 =	simm.s32 $0x80;
	[smem:$0x7FF] =	sst s2  }
0x4: {  	s13 =	simm.s32 $0x900;
	_ =	strace $0x8000004A;
	[dreg:$0x4] =	wrdreg s12  }
0x5: {  	s14 =	simm.s32 $0x1100;
	[dreg:$0x5] =	wrdreg s13  }
0x6: {  	s15 =	simm.s32 $0x1900;
	[dreg:$0x6] =	wrdreg s14  }
0x7: {  	s16 =	simm.s32 $0x2100;
	[dreg:$0x7] =	wrdreg s15  }
0x8: {  	s17 =	simm.s32 $0x2900;
	[dreg:$0x8] =	wrdreg s16  }
0x9: {  	s18 =	simm.s32 $0x3100;
	[dreg:$0x9] =	wrdreg s17  }
0xa: {  	s19 =	simm.s32 $0x3900;
	[dreg:$0xa] =	wrdreg s18  }
0xb: {  	s20 =	simm.s32 $0x4100;
	[dreg:$0xb] =	wrdreg s19  }
0xc: {  	s21 =	simm.s32 $0x4900;
	[dreg:$0xc] =	wrdreg s20  }
0xd: {  	s22 =	simm.s32 $0x5100;
	[dreg:$0xd] =	wrdreg s21  }
0xe: {  	s0 =	srdreg.scid;
	s23 =	simm.s32 $0x5900;
	[dreg:$0xe] =	wrdreg s22  }
0xf: {  	s24 =	simm.s32 $0x6100;
	s25 =	simm.s32 $0x6900;
	[dreg:$0xf] =	wrdreg s23  }
0x10: {  	s31 =	simm.s32 $0x7100;
	s5 =	sand.u32 $0x1, s0;
	[dreg:$0x10] =	wrdreg s24  }
0x11: {  	s28 =	simm.s32 $0x17900;
	s11 =	sshll.u32 s5, $0xA;
	[dreg:$0x11] =	wrdreg s25  }
0x12: {  	s0 =	sor.u32 s11, s10;
	[dreg:$0x12] =	wrdreg s31;
	s10 =	simm.s32 $0x8900  }
0x13: {  	s29 =	simm.s32 $0x4;
	s12 =	simm.s32 $0x9100;
	[dreg:$0x15] =	wrdreg s10  }
0x14: {  	s30 =	simm.s32 $0x0;
	s13 =	simm.s32 $0xA100;
	[dreg:$0x16] =	wrdreg s12  }
0x15: {  	s4 =	sadd.s32 $0xA00, s1;
	s14 =	simm.s32 $0xA900;
	[dreg:$0x18] =	wrdreg s13  }
0x16: {  	s9 =	sadd.s32 $0x6E00, s1;
	s16 =	simm.s32 $0xB100;
	[dreg:$0x19] =	wrdreg s14  }
0x17: {  	s5 =	ssub.s32 $0x2, s5;
	s17 =	simm.s32 $0xB900;
	[dreg:$0x1a] =	wrdreg s16  }
0x18: {  	s26 =	sshrl.u32 s5, $0x1;
	s18 =	simm.s32 $0xC900;
	[dreg:$0x1b] =	wrdreg s17  }
0x19: {  	s19 =	simm.s32 $0xD100;
	s20 =	simm.s32 $0xD900;
	[dreg:$0x1c] =	wrdreg s18  }
0x1a: {  	s21 =	simm.s32 $0xE900;
	s22 =	simm.s32 $0xF100;
	[dreg:$0x1d] =	wrdreg s19  }
0x1b: {  	s23 =	simm.s32 $0xF900;
	s24 =	simm.s32 $0x10100;
	[dreg:$0x1e] =	wrdreg s20  }
0x1c: {  	s25 =	simm.s32 $0x10900;
	s31 =	simm.s32 $0x11900;
	[smem:$0x7F7] =	sst s21  }
0x1d: {  	s6 =	sshrl.u32 s0, $0x3;
	s7 =	sor.u32 $0x80, s0;
	[smem:$0x7F8] =	sst s22  }
0x1e: {  	s10 =	simm.s32 $0x9900;
	s15 =	sadd.s32 $0x8840, s0;
	[smem:$0x7F9] =	sst s23  }
0x1f: {  	s0 =	sadd.s32 $0x8880, s0;
	s12 =	simm.s32 $0x1;
	[smem:$0x7FA] =	sst s24  }
0x20: {  	s13 =	simm.s32 $0xC100;
	s14 =	simm.s32 $0x2;
	[smem:$0x7FB] =	sst s25  }
0x21: {  	[smem:$0x7FD] =	sst s31;
	s16 =	simm.s32 $0x12100;
	s17 =	simm.s32 $0x12900  }
0x22: {  	s18 =	simm.s32 $0x13100;
	s19 =	simm.s32 $0x13900;
	s20 =	simm.s32 $0x14100  }
0x23: {  	s21 =	simm.s32 $0x14900;
	s22 =	simm.s32 $0x15100;
	s23 =	simm.s32 $0x15900  }
0x24: {  	s24 =	simm.s32 $0x16100;
	s25 =	simm.s32 $0x16900;
	s3 =	sadd.s32 s6, s4  }
0x25: {  	s7 =	sshrl.u32 s7, $0x3;
	s6 =	smul.u32 $0x300, s6;
	[dreg:$0x17] =	wrdreg s10  }
0x26: {  	s10 =	sshrl.u32 s15, $0x3;
	s0 =	sshrl.u32 s0, $0x3;
	s15 =	simm.s32 $0x3  }
0x27: {  	[smem:$0x7F5] =	sst s3;
	s8 =	sadd.s32 $0x8, s3;
	s4 =	sadd.s32 s7, s4  }
0x28: {  	s3 =	simm.s32 $0x7900;
	s10 =	smul.u32 $0x300, s10;
	[dreg:$0x2] =	wrdreg s8  }
0x29: {  	s7 =	simm.s32 $0x8100;
	s0 =	smul.u32 $0x300, s0;
	[dreg:$0x3] =	wrdreg s4  }
0x2a: {  	s4 =	sadd.s32 $0x636E00, s1;
	s8 =	ssub.s32 s5, s26;
	[dreg:$0x13] =	wrdreg s3  }
0x2b: {  	s6 =	sadd.s32 s9, s6;
	[dreg:$0x14] =	wrdreg s7;
	s7 =	sadd.s32 $0x637000, s1  }
0x2c: {  	s26 =	simm.s32 $0x11100;
	s11 =	sadd.s32 $0x330000, s6;
	s6 =	sadd.s32 $0x636F00, s1  }
0x2d: {  	v2 =	vlaneseq.u32;
	s8 =	smax.u32 s8, $0x1;
	s1 =	sadd.s32 s10, s9;
	[smem:$0x7FC] =	sst s26  }
0x2e: {  	vm0 =	vmmov $0xffff;
	v1 =	vshrl.u32 v2, $0x3;
	s10 =	sadd.s32 s0, s9;
	[smem:$0x7F6] =	sst s11;
	s11 =	simm.s32 $0xE100  }
0x2f: {  	v0 =	vand.u32 $0x7, v2;
	v2 =	vor.u32 $0x8, v2;
	v1 =	vmul.u32 $0x8, v1;
	s26 =	simm.s32 $0x17100;
	[dreg:$0x1f] =	wrdreg s11;
	s11 =	simm.s32 $0x100  }
.LBB2_1:
0x30: {  	s0 =	sld [smem:$0x7F5];
	_ =	sdelay $0x1  }
0x31: {  	s9 =	sld [smem:$0x7F6]  }
0x32: {  	[tilespmem:s2], [sflag:$0x1] =	stream.linear.gather [hbm4b:s0+s2], $0x40, $0x38;
	[tilespmem:$0x18100] =	vst v63  }
0x33: {  	_ = 	snop  }
0x34: {  	[tilespmem:s11], [sflag:$0x1] =	stream.linear.gather [hbm4b:s9+s2], $0xC000, $0x38;
	[tilespmem:$0x18100] =	vst v63  }
0x35: {  	s31 =	smov.u32 s10;
	s0 =	simm.s32 $0x0;
	s9 =	smov.u32 s1  }
.LBB2_2:
0x36: {  	_ =	swait.ge [sflag:s12], $0x40  }
0x37: {  	[sflag:s12] =	ssyncset.done $0x0  }
0x38: {  	[sflag:s12] =	ssyncadd.s32 $0xFFFFFFC0  }
0x39: {  	_ =	swait.ge [sflag:s12], $0xC000  }
0x3a: {  	s3 =	rddreg [dreg:$0x2];
	[sflag:s12] =	ssyncset.done $0x0  }
0x3b: {  	s5 =	rddreg [dreg:$0x4];
	[sflag:s12] =	ssyncadd.s32 $0xFFFF4000;
	s3 =	sadd.s32 s0, s3  }
0x3c: {  	[tilespmem:s5], [sflag:$0x2] =	stream.linear.gather [hbm4b:s3+s2], $0x40, $0x38;
	[tilespmem:$0x18100] =	vst v63  }
0x3d: {  	_ = 	snop  }
0x3e: {  	[tilespmem:s13], [sflag:$0x2] =	stream.linear.gather [hbm4b:s9+s2], $0xC000, $0x38;
	[tilespmem:$0x18100] =	vst v63  }
0x3f: {  	v3 =	vld [tilespmem:$0x0];
	_ =	sdelay $0x4  }
0x40: {  	v4 =	vshrl.u32 v3, $0x3  }
0x41: {  	v4 =	vmul.u32 $0x30, v4  }
0x42: {  	v3 =	vand.u32 $0x7, v3  }
0x43: {  	v3 =	vor.u32 v3, v4  }
0x44: {  	v4 =	vperm.xlane v3, v0;
	_ =	sdelay $0x1  }
0x45: {  	v4 =	vadd.s32 v1, v4;
	_ =	sdelay $0x3  }
0x46: {  	v3 =	vperm.xlane v3, v2  }
0x47: {  	[hbm4b:s4+s2] =	stream.indirect_vreg.scatter [tilespmem:s11], [sflag:$0x3], $0x80, v4, vm0, $0xb8;
	[tilespmem:$0x18100] =	vst v63  }
0x48: {  	s3 =	rddreg [dreg:$0x5];
	v3 =	vadd.s32 v1, v3  }
0x49: {  	[hbm4b:s6+s2] =	stream.indirect_vreg.scatter [tilespmem:s3], [sflag:$0x3], $0x80, v4, vm0, $0xb8;
	[tilespmem:$0x18100] =	vst v63  }
0x4a: {  	s5 =	rddreg [dreg:$0x6]  }
0x4b: {  	[hbm4b:s7+s2] =	stream.indirect_vreg.scatter [tilespmem:s5], [sflag:$0x3], $0x80, v4, vm0, $0xb8;
	[tilespmem:$0x18100] =	vst v63  }
0x4c: {  	s3 =	rddreg [dreg:$0x7]  }
0x4d: {  	[hbm4b:s4+s2] =	stream.indirect_vreg.scatter [tilespmem:s3], [sflag:$0x3], $0x80, v3, vm0, $0xb8;
	[tilespmem:$0x18100] =	vst v63  }
0x4e: {  	s5 =	rddreg [dreg:$0x8]  }
0x4f: {  	[hbm4b:s6+s2] =	stream.indirect_vreg.scatter [tilespmem:s5], [sflag:$0x3], $0x80, v3, vm0, $0xb8;
	[tilespmem:$0x18100] =	vst v63  }
0x50: {  	s3 =	rddreg [dreg:$0x9]  }
0x51: {  	[hbm4b:s7+s2] =	stream.indirect_vreg.scatter [tilespmem:s3], [sflag:$0x3], $0x80, v3, vm0, $0xb8;
	[tilespmem:$0x18100] =	vst v63  }
0x52: {  	v3 =	vld [tilespmem:$0x10];
	_ =	sdelay $0x4  }
0x53: {  	v57 =	vshrl.u32 v3, $0x3  }
0x54: {  	v4 =	vmul.u32 $0x30, v57  }
0x55: {  	v3 =	vand.u32 $0x7, v3  }
0x56: {  	v3 =	vor.u32 v3, v4  }
0x57: {  	v4 =	vperm.xlane v3, v0;
	_ =	sdelay $0x1  }
0x58: {  	v4 =	vadd.s32 v1, v4;
	_ =	sdelay $0x3  }
0x59: {  	s3 =	rddreg [dreg:$0xa];
	v3 =	vperm.xlane v3, v2  }
0x5a: {  	[hbm4b:s4+s2] =	stream.indirect_vreg.scatter [tilespmem:s3], [sflag:$0x3], $0x80, v4, vm0, $0xb8;
	[tilespmem:$0x18100] =	vst v63  }
0x5b: {  	s5 =	rddreg [dreg:$0xb];
	v3 =	vadd.s32 v1, v3  }
0x5c: {  	[hbm4b:s6+s2] =	stream.indirect_vreg.scatter [tilespmem:s5], [sflag:$0x3], $0x80, v4, vm0, $0xb8;
	[tilespmem:$0x18100] =	vst v63  }
0x5d: {  	s3 =	rddreg [dreg:$0xc]  }
0x5e: {  	[hbm4b:s7+s2] =	stream.indirect_vreg.scatter [tilespmem:s3], [sflag:$0x3], $0x80, v4, vm0, $0xb8;
	[tilespmem:$0x18100] =	vst v63  }
0x5f: {  	s5 =	rddreg [dreg:$0xd]  }
0x60: {  	[hbm4b:s4+s2] =	stream.indirect_vreg.scatter [tilespmem:s5], [sflag:$0x3], $0x80, v3, vm0, $0xb8;
	[tilespmem:$0x18100] =	vst v63  }
0x61: {  	s3 =	rddreg [dreg:$0xe]  }
0x62: {  	[hbm4b:s6+s2] =	stream.indirect_vreg.scatter [tilespmem:s3], [sflag:$0x3], $0x80, v3, vm0, $0xb8;
	[tilespmem:$0x18100] =	vst v63  }
0x63: {  	s5 =	rddreg [dreg:$0xf]  }
0x64: {  	[hbm4b:s7+s2] =	stream.indirect_vreg.scatter [tilespmem:s5], [sflag:$0x3], $0x80, v3, vm0, $0xb8;
	[tilespmem:$0x18100] =	vst v63  }
0x65: {  	v3 =	vld [tilespmem:$0x20];
	_ =	sdelay $0x4  }
0x66: {  	v58 =	vshrl.u32 v3, $0x3  }
0x67: {  	v4 =	vmul.u32 $0x30, v58  }
0x68: {  	v3 =	vand.u32 $0x7, v3  }
0x69: {  	v3 =	vor.u32 v3, v4  }
0x6a: {  	v4 =	vperm.xlane v3, v0;
	_ =	sdelay $0x1  }
0x6b: {  	v4 =	vadd.s32 v1, v4;
	_ =	sdelay $0x3  }
0x6c: {  	s3 =	rddreg [dreg:$0x10];
	v3 =	vperm.xlane v3, v2  }
0x6d: {  	[hbm4b:s4+s2] =	stream.indirect_vreg.scatter [tilespmem:s3], [sflag:$0x3], $0x80, v4, vm0, $0xb8;
	[tilespmem:$0x18100] =	vst v63  }
0x6e: {  	s5 =	rddreg [dreg:$0x11];
	v3 =	vadd.s32 v1, v3  }
0x6f: {  	[hbm4b:s6+s2] =	stream.indirect_vreg.scatter [tilespmem:s5], [sflag:$0x3], $0x80, v4, vm0, $0xb8;
	[tilespmem:$0x18100] =	vst v63  }
0x70: {  	s3 =	rddreg [dreg:$0x12]  }
0x71: {  	[hbm4b:s7+s2] =	stream.indirect_vreg.scatter [tilespmem:s3], [sflag:$0x3], $0x80, v4, vm0, $0xb8;
	[tilespmem:$0x18100] =	vst v63  }
0x72: {  	s5 =	rddreg [dreg:$0x13]  }
0x73: {  	[hbm4b:s4+s2] =	stream.indirect_vreg.scatter [tilespmem:s5], [sflag:$0x3], $0x80, v3, vm0, $0xb8;
	[tilespmem:$0x18100] =	vst v63  }
0x74: {  	s3 =	rddreg [dreg:$0x14]  }
0x75: {  	[hbm4b:s6+s2] =	stream.indirect_vreg.scatter [tilespmem:s3], [sflag:$0x3], $0x80, v3, vm0, $0xb8;
	[tilespmem:$0x18100] =	vst v63  }
0x76: {  	s5 =	rddreg [dreg:$0x15]  }
0x77: {  	[hbm4b:s7+s2] =	stream.indirect_vreg.scatter [tilespmem:s5], [sflag:$0x3], $0x80, v3, vm0, $0xb8;
	[tilespmem:$0x18100] =	vst v63  }
0x78: {  	v3 =	vld [tilespmem:$0x30];
	_ =	sdelay $0x4  }
0x79: {  	v59 =	vshrl.u32 v3, $0x3  }
0x7a: {  	v4 =	vmul.u32 $0x30, v59  }
0x7b: {  	v3 =	vand.u32 $0x7, v3  }
0x7c: {  	v3 =	vor.u32 v3, v4  }
0x7d: {  	v4 =	vperm.xlane v3, v0;
	_ =	sdelay $0x1  }
0x7e: {  	v4 =	vadd.s32 v1, v4;
	_ =	sdelay $0x3  }
0x7f: {  	s3 =	rddreg [dreg:$0x16];
	v3 =	vperm.xlane v3, v2  }
0x80: {  	[hbm4b:s4+s2] =	stream.indirect_vreg.scatter [tilespmem:s3], [sflag:$0x3], $0x80, v4, vm0, $0xb8;
	[tilespmem:$0x18100] =	vst v63  }
0x81: {  	s5 =	rddreg [dreg:$0x17];
	v3 =	vadd.s32 v1, v3  }
0x82: {  	[hbm4b:s6+s2] =	stream.indirect_vreg.scatter [tilespmem:s5], [sflag:$0x3], $0x80, v4, vm0, $0xb8;
	[tilespmem:$0x18100] =	vst v63  }
0x83: {  	s3 =	rddreg [dreg:$0x18]  }
0x84: {  	[hbm4b:s7+s2] =	stream.indirect_vreg.scatter [tilespmem:s3], [sflag:$0x3], $0x80, v4, vm0, $0xb8;
	[tilespmem:$0x18100] =	vst v63  }
0x85: {  	s5 =	rddreg [dreg:$0x19]  }
0x86: {  	[hbm4b:s4+s2] =	stream.indirect_vreg.scatter [tilespmem:s5], [sflag:$0x3], $0x80, v3, vm0, $0xb8;
	[tilespmem:$0x18100] =	vst v63  }
0x87: {  	s3 =	rddreg [dreg:$0x1a]  }
0x88: {  	[hbm4b:s6+s2] =	stream.indirect_vreg.scatter [tilespmem:s3], [sflag:$0x3], $0x80, v3, vm0, $0xb8;
	[tilespmem:$0x18100] =	vst v63  }
0x89: {  	s5 =	rddreg [dreg:$0x1b]  }
0x8a: {  	[hbm4b:s7+s2] =	stream.indirect_vreg.scatter [tilespmem:s5], [sflag:$0x3], $0x80, v3, vm0, $0xb8;
	[tilespmem:$0x18100] =	vst v63  }
0x8b: {  	_ =	swait.ge [sflag:s14], $0x40  }
0x8c: {  	[sflag:s14] =	ssyncset.done $0x0  }
0x8d: {  	[sflag:s14] =	ssyncadd.s32 $0xFFFFFFC0  }
0x8e: {  	_ =	swait.ge [sflag:s14], $0xC000  }
0x8f: {  	[sflag:s14] =	ssyncset.done $0x0  }
0x90: {  	[sflag:s14] =	ssyncadd.s32 $0xFFFF4000  }
0x91: {  	_ =	swait.ge [sflag:s15], $0xC000  }
0x92: {  	p0 =	seq.s32 s0, $0x70;
	s3 =	rddreg [dreg:$0x3];
	[sflag:s15] =	ssyncset.done $0x0  }
0x93: {  	s5 =	simm.s32 @!p0 $0x0;
	[sflag:s15] =	ssyncadd.s32 $0xFFFF4000;
	s3 =	sadd.s32 @!p0 s0, s3  }
0x94: {  	[tilespmem:s5], [sflag:$0x1] =	stream.linear.gather @!p0 [hbm4b:s3+s5], $0x40, $0x38;
	[tilespmem:$0x18100] =	vst v63  }
0x95: {  	s3 =	simm.s32 @!p0 $0x100  }
0x96: {  	[tilespmem:s3], [sflag:$0x1] =	stream.linear.gather @!p0 [hbm4b:s31+s5], $0xC000, $0x38;
	[tilespmem:$0x18100] =	vst v63  }
0x97: {  	v3 =	vld [tilespmem:$0x80];
	_ =	sdelay $0x4  }
0x98: {  	v60 =	vshrl.u32 v3, $0x3  }
0x99: {  	v4 =	vmul.u32 $0x30, v60  }
0x9a: {  	v3 =	vand.u32 $0x7, v3  }
0x9b: {  	v3 =	vor.u32 v3, v4  }
0x9c: {  	v4 =	vperm.xlane v3, v0;
	_ =	sdelay $0x1  }
0x9d: {  	v4 =	vadd.s32 v1, v4;
	_ =	sdelay $0x3  }
0x9e: {  	s3 =	rddreg [dreg:$0x1c];
	v3 =	vperm.xlane v3, v2  }
0x9f: {  	[hbm4b:s4+s2] =	stream.indirect_vreg.scatter [tilespmem:s13], [sflag:$0x4], $0x80, v4, vm0, $0xb8;
	[tilespmem:$0x18100] =	vst v63  }
0xa0: {  	s5 =	rddreg [dreg:$0x1d];
	v3 =	vadd.s32 v1, v3  }
0xa1: {  	[hbm4b:s6+s2] =	stream.indirect_vreg.scatter [tilespmem:s3], [sflag:$0x4], $0x80, v4, vm0, $0xb8;
	[tilespmem:$0x18100] =	vst v63  }
0xa2: {  	s3 =	rddreg [dreg:$0x1e]  }
0xa3: {  	[hbm4b:s7+s2] =	stream.indirect_vreg.scatter [tilespmem:s5], [sflag:$0x4], $0x80, v4, vm0, $0xb8;
	[tilespmem:$0x18100] =	vst v63  }
0xa4: {  	s5 =	rddreg [dreg:$0x1f]  }
0xa5: {  	[hbm4b:s4+s2] =	stream.indirect_vreg.scatter [tilespmem:s3], [sflag:$0x4], $0x80, v3, vm0, $0xb8;
	[tilespmem:$0x18100] =	vst v63  }
0xa6: {  	s3 =	sld [smem:$0x7F7]  }
0xa7: {  	[hbm4b:s6+s2] =	stream.indirect_vreg.scatter [tilespmem:s5], [sflag:$0x4], $0x80, v3, vm0, $0xb8;
	[tilespmem:$0x18100] =	vst v63  }
0xa8: {  	_ = 	snop  }
0xa9: {  	[hbm4b:s7+s2] =	stream.indirect_vreg.scatter [tilespmem:s3], [sflag:$0x4], $0x80, v3, vm0, $0xb8;
	[tilespmem:$0x18100] =	vst v63  }
0xaa: {  	v3 =	vld [tilespmem:$0x90];
	_ =	sdelay $0x4  }
0xab: {  	v61 =	vshrl.u32 v3, $0x3  }
0xac: {  	v4 =	vmul.u32 $0x30, v61  }
0xad: {  	v3 =	vand.u32 $0x7, v3  }
0xae: {  	v3 =	vor.u32 v3, v4  }
0xaf: {  	v4 =	vperm.xlane v3, v0;
	_ =	sdelay $0x1  }
0xb0: {  	v4 =	vadd.s32 v1, v4;
	_ =	sdelay $0x1  }
0xb1: {  	s3 =	sld [smem:$0x7F8];
	_ =	sdelay $0x1  }
0xb2: {  	s5 =	sld [smem:$0x7F9];
	v3 =	vperm.xlane v3, v2  }
0xb3: {  	[hbm4b:s4+s2] =	stream.indirect_vreg.scatter [tilespmem:s3], [sflag:$0x4], $0x80, v4, vm0, $0xb8;
	[tilespmem:$0x18100] =	vst v63  }
0xb4: {  	v3 =	vadd.s32 v1, v3;
	s3 =	sld [smem:$0x7FA]  }
0xb5: {  	[hbm4b:s6+s2] =	stream.indirect_vreg.scatter [tilespmem:s5], [sflag:$0x4], $0x80, v4, vm0, $0xb8;
	[tilespmem:$0x18100] =	vst v63  }
0xb6: {  	s5 =	sld [smem:$0x7FB]  }
0xb7: {  	[hbm4b:s7+s2] =	stream.indirect_vreg.scatter [tilespmem:s3], [sflag:$0x4], $0x80, v4, vm0, $0xb8;
	[tilespmem:$0x18100] =	vst v63  }
0xb8: {  	s3 =	sld [smem:$0x7FC]  }
0xb9: {  	[hbm4b:s4+s2] =	stream.indirect_vreg.scatter [tilespmem:s5], [sflag:$0x4], $0x80, v3, vm0, $0xb8;
	[tilespmem:$0x18100] =	vst v63  }
0xba: {  	s5 =	sld [smem:$0x7FD]  }
0xbb: {  	[hbm4b:s6+s2] =	stream.indirect_vreg.scatter [tilespmem:s3], [sflag:$0x4], $0x80, v3, vm0, $0xb8;
	[tilespmem:$0x18100] =	vst v63  }
0xbc: {  	_ = 	snop  }
0xbd: {  	[hbm4b:s7+s2] =	stream.indirect_vreg.scatter [tilespmem:s5], [sflag:$0x4], $0x80, v3, vm0, $0xb8;
	[tilespmem:$0x18100] =	vst v63  }
0xbe: {  	v3 =	vld [tilespmem:$0xA0];
	_ =	sdelay $0x4  }
0xbf: {  	v62 =	vshrl.u32 v3, $0x3  }
0xc0: {  	v4 =	vmul.u32 $0x30, v62  }
0xc1: {  	v3 =	vand.u32 $0x7, v3  }
0xc2: {  	v3 =	vor.u32 v3, v4  }
0xc3: {  	v4 =	vperm.xlane v3, v0;
	_ =	sdelay $0x1  }
0xc4: {  	v4 =	vadd.s32 v1, v4;
	_ =	sdelay $0x3  }
0xc5: {  	v3 =	vperm.xlane v3, v2  }
0xc6: {  	[hbm4b:s4+s2] =	stream.indirect_vreg.scatter [tilespmem:s16], [sflag:$0x4], $0x80, v4, vm0, $0xb8;
	[tilespmem:$0x18100] =	vst v63  }
0xc7: {  	v3 =	vadd.s32 v1, v3  }
0xc8: {  	[hbm4b:s6+s2] =	stream.indirect_vreg.scatter [tilespmem:s17], [sflag:$0x4], $0x80, v4, vm0, $0xb8;
	[tilespmem:$0x18100] =	vst v63  }
0xc9: {  	_ = 	snop  }
0xca: {  	[hbm4b:s7+s2] =	stream.indirect_vreg.scatter [tilespmem:s18], [sflag:$0x4], $0x80, v4, vm0, $0xb8;
	[tilespmem:$0x18100] =	vst v63  }
0xcb: {  	_ = 	snop  }
0xcc: {  	[hbm4b:s4+s2] =	stream.indirect_vreg.scatter [tilespmem:s19], [sflag:$0x4], $0x80, v3, vm0, $0xb8;
	[tilespmem:$0x18100] =	vst v63  }
0xcd: {  	_ = 	snop  }
0xce: {  	[hbm4b:s6+s2] =	stream.indirect_vreg.scatter [tilespmem:s20], [sflag:$0x4], $0x80, v3, vm0, $0xb8;
	[tilespmem:$0x18100] =	vst v63  }
0xcf: {  	_ = 	snop  }
0xd0: {  	[hbm4b:s7+s2] =	stream.indirect_vreg.scatter [tilespmem:s21], [sflag:$0x4], $0x80, v3, vm0, $0xb8;
	[tilespmem:$0x18100] =	vst v63  }
0xd1: {  	v3 =	vld [tilespmem:$0xB0];
	_ =	sdelay $0x4  }
0xd2: {  	v63 =	vshrl.u32 v3, $0x3  }
0xd3: {  	v4 =	vmul.u32 $0x30, v63  }
0xd4: {  	v3 =	vand.u32 $0x7, v3  }
0xd5: {  	v3 =	vor.u32 v3, v4  }
0xd6: {  	v4 =	vperm.xlane v3, v0;
	_ =	sdelay $0x1  }
0xd7: {  	v4 =	vadd.s32 v1, v4;
	_ =	sdelay $0x3  }
0xd8: {  	v3 =	vperm.xlane v3, v2  }
0xd9: {  	[hbm4b:s4+s2] =	stream.indirect_vreg.scatter [tilespmem:s22], [sflag:$0x4], $0x80, v4, vm0, $0xb8;
	[tilespmem:$0x18100] =	vst v63  }
0xda: {  	v3 =	vadd.s32 v1, v3  }
0xdb: {  	[hbm4b:s6+s2] =	stream.indirect_vreg.scatter [tilespmem:s23], [sflag:$0x4], $0x80, v4, vm0, $0xb8;
	[tilespmem:$0x18100] =	vst v63  }
0xdc: {  	_ = 	snop  }
0xdd: {  	[hbm4b:s7+s2] =	stream.indirect_vreg.scatter [tilespmem:s24], [sflag:$0x4], $0x80, v4, vm0, $0xb8;
	[tilespmem:$0x18100] =	vst v63  }
0xde: {  	s0 =	sadd.s32 $0x10, s0  }
0xdf: {  	[hbm4b:s4+s2] =	stream.indirect_vreg.scatter [tilespmem:s25], [sflag:$0x4], $0x80, v3, vm0, $0xb8;
	[tilespmem:$0x18100] =	vst v63  }
0xe0: {  	p0 =	sne.s32 s0, $0x80  }
0xe1: {  	[hbm4b:s6+s2] =	stream.indirect_vreg.scatter [tilespmem:s26], [sflag:$0x4], $0x80, v3, vm0, $0xb8;
	[tilespmem:$0x18100] =	vst v63  }
.Ltmp0:
0xe2: {  	_ = 	snop;
	(pc) =	sbr.rel @p0 .LBB2_2-.Ltmp0, $4  }
0xe3: {  	[hbm4b:s7+s2] =	stream.indirect_vreg.scatter [tilespmem:s28], [sflag:$0x4], $0x80, v3, vm0, $0xb8;
	[tilespmem:$0x18100] =	vst v63  }
0xe4: {  	_ =	swait.ge [sflag:s29], $0xC000  }
0xe5: {  	[sflag:s29] =	ssyncset.done $0x0  }
0xe6: {  	s9 =	sadd.s32 $0x3000, s9;
	s31 =	sadd.s32 $0x3000, s31;
	[sflag:s29] =	ssyncadd.s32 $0xFFFF4000  }
0xe7: {  	s30 =	sadd.s32 $0x1, s30  }
0xe8: {  	p0 =	sne.s32 s30, s8  }
.Ltmp1:
0xe9: {  	_ = 	snop;
	(pc) =	sbr.rel @p0 .LBB2_1-.Ltmp1, $1  }
0xea: {  	_ =	sdelay $0x3  }
0xeb: {  	_ =	sfence.sel $0x180000  }
0xec: {  	[bflag:$0x0] =	sbarrier.arrive $0xFFFF  }
0xed: {  	_ =	strace $0x9000004A  }
0xee: {  	s0 =	stileid.u32;
	[bflag:$0x2] =	sbarrier.arrive $0xFFFF  }
0xef: {  	p0 =	sne.s32 s0, $0x0;
	s0 =	rddreg [dreg:$0x1]  }
0xf0: {  	s0 =	sadd.s32 @!p0 $0x100000, s0  }
0xf1: {  	[sflag:s0] =	ssyncadd.tile.s32 @!p0 $0x1;
	_ =	shalt  }
.Lfunc_end2:
_tile_overlayer_lowered:
.L_overlay_start_2:
0xf2: {  	(tag) =	ssettag $0x2  }
0xf3: {  	s0 =	rddreg [dreg:$0x0];
	s2 =	stileid.u32  }
0xf4: {  	s1 =	rddreg [dreg:$0x1];
	p0 =	sne.s32 s2, $0x0  }
0xf5: {  	s3 =	rddreg [dreg:$0x2];
	[bflag:$0x3] =	sbarrier.arrive $0xFFFF;
	s2 =	simm.s32 @!p0 $0x1C05  }
0xf6: {  	[timem:s3], [sflag:s2] =	dma.local @!p0 [hbm:s0], s1  }
0xf7: {  	s0 =	simm.s32 @!p0 $0x5  }
0xf8: {  	_ =	swait.ge @!p0 [sflag:s0], s1  }
0xf9: {  	s1 =	ssub.s32 @!p0 $0x0, s1;
	[sflag:s0] =	ssyncset.done @!p0 $0x0  }
0xfa: {  	[sflag:s0] =	ssyncadd.s32 @!p0 s1  }
0xfb: {  	[bflag:$0x3] =	sbarrier.arrive $0xFFFF  }
0xfc: {  	_ =	shalt  }

</sc_bundles>
